<compile_context>
chip_gen: v7x
topology: tpu7x:2x2x1
jax: 0.10.2.dev20260603
libtpu: 0.0.44.dev20260713+nightly
codegen_flags: <defaults>
</compile_context>

<pallas_src>
import functools

import jax
import jax.numpy as jnp
from jax import lax
from jax.experimental import pallas as pl
from jax.experimental.pallas import tpu as pltpu
from jax.experimental.pallas import tpu_sc as plsc

B = 1024
NJ = 100
NM = 20
NT = 10
NO = 500
NOP = 512
NA = 1 + NJ * NM * NT
NW = 32
SPW = B // NW
BIG = 1e9


_BPB = 256


def _bp_body(adj_ref, o_ref):
    a = adj_ref[...]
    acc = a[0]
    for m in range(1, NM):
        acc = acc | (a[m] << m)
    o_ref[...] = jnp.pad(acc, ((0, NOP - NO), (0, 0)))


def _bitpack(adj_t):
    return pl.pallas_call(
        _bp_body,
        grid=(B // _BPB,),
        in_specs=[pl.BlockSpec((NM, NO, _BPB), lambda r: (0, 0, r))],
        out_specs=pl.BlockSpec((NOP, _BPB), lambda r: (0, r)),
        out_shape=jax.ShapeDtypeStruct((NOP, B), jnp.int32),
    )(adj_t)




def _sc_body(bits_hbm, nop_hbm, mbu_hbm, trk_hbm, out_hbm,
             bbuf, nop_v, mbu_v, trk_v, out_v, s0):
    wid = lax.axis_index("s") * 2 + lax.axis_index("c")
    lane = lax.iota(jnp.int32, 16)

    coff = pl.multiple_of((wid // 4) * 128, 128)
    lbase = (wid % 4) * SPW
    cp_b = pltpu.make_async_copy(bits_hbm.at[:, pl.ds(coff, 128)], bbuf, s0)
    cp_n = pltpu.make_async_copy(nop_hbm.at[:, pl.ds(coff, 128)], nop_v, s0)
    cp_m = pltpu.make_async_copy(mbu_hbm.at[:, pl.ds(coff, 128)], mbu_v, s0)
    cp_t = pltpu.make_async_copy(trk_hbm.at[:, pl.ds(coff, 128)], trk_v, s0)
    cp_b.start()
    cp_n.start()
    cp_m.start()
    cp_t.start()
    cp_b.wait()
    cp_n.wait()
    cp_m.wait()
    cp_t.wait()

    def group(g, _):
        col = lbase + g * 16
        cvec = col + lane
        mb = [mbu_v[m, pl.ds(col, 16)] for m in range(NM)]

        def job_body(j, carry):
            bv, bf = carry
            ovec = nop_v[j, pl.ds(col, 16)]
            bw = plsc.load_gather(bbuf, [ovec, cvec])
            cand = [(jnp.where((bw & (1 << m)) != 0, mb[m], jnp.float32(BIG)),
                     jnp.full((16,), m)) for m in range(NM)]
            while len(cand) > 1:
                nxt = []
                for p in range(0, len(cand) - 1, 2):
                    (av, ai), (bvv, bi) = cand[p], cand[p + 1]
                    ta = av <= bvv
                    nxt.append((jnp.where(ta, av, bvv),
                                jnp.where(ta, ai, bi)))
                if len(cand) % 2:
                    nxt.append(cand[-1])
                cand = nxt
            jv, jm = cand[0]
            upd = jv < bv
            bv = jnp.where(upd, jv, bv)
            bf = jnp.where(upd, j * NM + jm, bf)
            return bv, bf

        bv0 = jnp.full((16,), jnp.float32(BIG))
        bf0 = jnp.zeros((16,), jnp.int32)
        bv, bf = lax.fori_loop(0, NJ, job_body, (bv0, bf0))

        btv = trk_v[0, pl.ds(col, 16)]
        bts = jnp.zeros((16,), jnp.int32)
        for t in range(1, NT):
            tvt = trk_v[t, pl.ds(col, 16)]
            tupd = tvt < btv
            btv = jnp.where(tupd, tvt, btv)
            bts = jnp.where(tupd, t, bts)

        act = 1 + (bf // NM) * (NM * NT) + (bf % NM) * NT + bts
        out_v[pl.ds(g * 16, 16)] = act
        return 0

    lax.fori_loop(0, SPW // 16, group, 0)
    pltpu.sync_copy(out_v, out_hbm.at[pl.ds(wid * SPW, SPW)])


_sc_fifo = functools.partial(
    pl.kernel,
    mesh=plsc.VectorSubcoreMesh(core_axis_name="c", subcore_axis_name="s"),
    out_type=jax.ShapeDtypeStruct((B,), jnp.int32),
    compiler_params=pltpu.CompilerParams(needs_layout_passes=False),
    scratch_types=[
        pltpu.VMEM((NOP, 128), jnp.int32),
        pltpu.VMEM((NJ, 128), jnp.int32),
        pltpu.VMEM((NM, 128), jnp.float32),
        pltpu.VMEM((NT, 128), jnp.float32),
        pltpu.VMEM((SPW,), jnp.int32),
        pltpu.SemaphoreType.DMA,
    ],
)(_sc_body)



_CS = 1024


def _oh_body(idx_ref, o_ref):
    r = pl.program_id(0)
    rows = lax.broadcasted_iota(jnp.int32, (_CS, B), 0) + r * _CS
    idx = idx_ref[pl.ds(0, 1), :]
    o_ref[...] = jnp.where(rows == idx, jnp.float32(1.0), jnp.float32(0.0))


def _onehot_t(act_idx):
    idx2 = jnp.broadcast_to(act_idx.reshape(1, B), (8, B))
    return pl.pallas_call(
        _oh_body,
        grid=(pl.cdiv(NA, _CS),),
        in_specs=[pl.BlockSpec((8, B), lambda r: (0, 0))],
        out_specs=pl.BlockSpec((_CS, B), lambda r: (r, 0)),
        out_shape=jax.ShapeDtypeStruct((NA, B), jnp.float32),
    )(idx2)


def kernel(job_done, machine_busy_until, truck_location, ops_ma_adj,
           next_op, truck_busy_until, action_mask):
    adj_t = jnp.transpose(ops_ma_adj, (1, 2, 0))
    bits_t = _bitpack(adj_t)
    act_idx = _sc_fifo(bits_t, next_op.T, machine_busy_until.T,
                       truck_busy_until.T)
    logits = _onehot_t(act_idx).T
    return (logits, action_mask)

# --- scband reference (transcript-rebuilt; emitter-appended) ---
"""Pipeline reference for scband-fifo-50302656971204 (READ-ONLY COPY).

The authoritative reference and input builder live on the scoring server;
editing this copy changes nothing except your own understanding.
"""

import jax, jax.numpy as jnp
import numpy as np

INIT_FINISH = 1e9

def setup_inputs(seed: int = 0) -> dict:
    key = jax.random.key(seed)
    k1, k2, k3, k4, k5 = jax.random.split(key, 5)
    batch, n_jobs, n_mas, n_trs, n_ops = 1024, 100, 20, 10, 500
    return {
        "job_done": jnp.zeros((batch, n_jobs), dtype=jnp.float32),
        "machine_busy_until": jax.random.uniform(k1, (batch, n_mas), dtype=jnp.float32),
        "truck_location": jax.random.uniform(k2, (batch, n_trs), dtype=jnp.float32),
        "ops_ma_adj": jax.random.randint(k3, (batch, n_mas, n_ops), 0, 2, dtype=jnp.int32),
        "next_op": jax.random.randint(k4, (batch, n_jobs), 0, n_ops, dtype=jnp.int32),
        "truck_busy_until": jax.random.uniform(k5, (batch, n_trs), dtype=jnp.float32),
        "action_mask": jnp.ones((batch, 1 + n_jobs * n_mas * n_trs), dtype=bool),
    }

def reference(job_done, machine_busy_until, truck_location, ops_ma_adj, next_op, truck_busy_until, action_mask):
    batch, n_jobs = job_done.shape
    n_mas = machine_busy_until.shape[1]
    n_trs = truck_location.shape[1]
    permuted_ops_ma_adj = jnp.transpose(ops_ma_adj, (0, 2, 1))  # (B, n_ops, n_mas)
    valid_machines_mask = permuted_ops_ma_adj[jnp.arange(batch)[:, None], next_op]  # (B, n_jobs, n_mas)
    machine_times_expanded = jnp.broadcast_to(machine_busy_until[:, None, :], (batch, n_jobs, n_mas))
    valid_machine_times = jnp.where(valid_machines_mask == 1, machine_times_expanded, jnp.float32(INIT_FINISH))
    flat = valid_machine_times.reshape(batch, -1)
    flat_indices = jnp.argmin(flat, axis=-1)
    selected_job = flat_indices // n_mas
    selected_machine = flat_indices % n_mas
    selected_truck = jnp.argmin(truck_busy_until, axis=-1)
    logits = jnp.zeros((batch, 1 + n_jobs * n_mas * n_trs), dtype=jnp.float32)
    action_idx = 1 + selected_job * n_mas * n_trs + selected_machine * n_trs + selected_truck
    logits = logits.at[jnp.arange(batch), action_idx].set(1.0)
    return (logits, action_mask)

if __name__ == "__main__":
    import jax
    _d = setup_inputs()
    print(jax.jit(kernel)(*tuple(_d.values())))

</pallas_src>

<mosaic_0001>
#map = affine_map<(d0, d1) -> (0, 0)>
#map1 = affine_map<(d0, d1) -> (0)>
module attributes {stable_mosaic.version = 14 : i64} {
  func.func @_sc_body(%arg0: i32, %arg1: i32, %arg2: memref<512x1024xi32, #tpu.memory_space<hbm>>, %arg3: memref<100x1024xi32, #tpu.memory_space<hbm>>, %arg4: memref<20x1024xf32, #tpu.memory_space<hbm>>, %arg5: memref<10x1024xf32, #tpu.memory_space<hbm>>, %arg6: memref<1024xi32, #tpu.memory_space<hbm>>, %arg7: memref<512x128xi32, #tpu.memory_space<vmem>>, %arg8: memref<100x128xi32, #tpu.memory_space<vmem>>, %arg9: memref<20x128xf32, #tpu.memory_space<vmem>>, %arg10: memref<10x128xf32, #tpu.memory_space<vmem>>, %arg11: memref<32xi32, #tpu.memory_space<vmem>>, %arg12: memref<!tpu.dma_semaphore, #tpu.memory_space<semaphore_mem>>) attributes {dimension_semantics = [#tpu.dimension_semantics<core_parallel>, #tpu.dimension_semantics<subcore_parallel>], iteration_bounds = array<i64: 2, 16>, scalar_prefetch = 0 : i64, scratch_operands = 6 : i64, tpu.core_type = #tpu.core_type<sc_vector_subcore>, window_params = [{transform_indices = #map}, {transform_indices = #map}, {transform_indices = #map}, {transform_indices = #map}, {transform_indices = #map1}]} {
    %mul3A = arith.constant 2 : i32
    %mul3A_0 = arith.muli %arg1, %mul3A : i32
    %add3A = arith.addi %mul3A_0, %arg0 : i32
    %iota3A = tpu.iota {dimensions = array<i32: 0>} : vector<16xi32>
    %jit3A = arith.constant 4 : i32
    %div3A = arith.divsi %add3A, %jit3A : i32
    %sign3A = arith.constant 0 : i32
    %sign3A_1 = arith.cmpi sgt, %add3A, %sign3A : i32
    %sign3A_2 = arith.extui %sign3A_1 : i1 to i32
    %sign3A_3 = arith.constant 0 : i32
    %sign3A_4 = arith.cmpi slt, %add3A, %sign3A_3 : i32
    %sign3A_5 = arith.extui %sign3A_4 : i1 to i32
    %sign3A_6 = arith.subi %sign3A_2, %sign3A_5 : i32
    %sign3A_7 = arith.constant 0 : i32
    %sign3A_8 = arith.cmpi sgt, %jit3A, %sign3A_7 : i32
    %sign3A_9 = arith.extui %sign3A_8 : i1 to i32
    %sign3A_10 = arith.constant 0 : i32
    %sign3A_11 = arith.cmpi slt, %jit3A, %sign3A_10 : i32
    %sign3A_12 = arith.extui %sign3A_11 : i1 to i32
    %sign3A_13 = arith.subi %sign3A_9, %sign3A_12 : i32
    %ne3A = arith.cmpi ne, %sign3A_6, %sign3A_13 : i32
    %rem3A = arith.remsi %add3A, %jit3A : i32
    %ne3A_14 = arith.constant 0 : i32
    %ne3A_15 = arith.cmpi ne, %rem3A, %ne3A_14 : i32
    %and3A = arith.andi %ne3A, %ne3A_15 : i1
    %sub3A = arith.constant 1 : i32
    %sub3A_16 = arith.subi %div3A, %sub3A : i32
    %select_n3A = arith.select %and3A, %sub3A_16, %div3A : i32
    %mul3A_17 = arith.constant 128 : i32
    %mul3A_18 = arith.muli %select_n3A, %mul3A_17 : i32
    %multiple_of3A = tpu.assume_multiple %mul3A_18, 128 : i32
    %jit3A_19 = arith.constant 4 : i32
    %eq3A = arith.constant 0 : i32
    %eq3A_20 = arith.cmpi eq, %jit3A_19, %eq3A : i32
    %jit3A_21 = arith.constant 1 : i32
    %select_n3A_22 = arith.select %eq3A_20, %jit3A_21, %jit3A_19 : i32
    %rem3A_23 = arith.remsi %add3A, %select_n3A_22 : i32
    %ne3A_24 = arith.constant 0 : i32
    %ne3A_25 = arith.cmpi ne, %rem3A_23, %ne3A_24 : i32
    %lt3A = arith.constant 0 : i32
    %lt3A_26 = arith.cmpi slt, %rem3A_23, %lt3A : i32
    %lt3A_27 = arith.constant 0 : i32
    %lt3A_28 = arith.cmpi slt, %select_n3A_22, %lt3A_27 : i32
    %ne3A_29 = arith.xori %lt3A_26, %lt3A_28 : i1
    %and3A_30 = arith.andi %ne3A_29, %ne3A_25 : i1
    %add3A_31 = arith.addi %rem3A_23, %select_n3A_22 : i32
    %select_n3A_32 = arith.select %and3A_30, %add3A_31, %rem3A_23 : i32
    %mul3A_33 = arith.constant 32 : i32
    %mul3A_34 = arith.muli %select_n3A_32, %mul3A_33 : i32
    %dma_start3A = arith.constant 0 : i32
    %dma_start3A_35 = tpu.memref_slice %arg2[%dma_start3A, %multiple_of3A] : memref<512x1024xi32, #tpu.memory_space<hbm>> -> memref<512x128xi32, #tpu.memory_space<hbm>>
    %dma_start3A_36 = arith.constant 0 : i32
    %dma_start3A_37 = tpu.memref_slice %arg2[%dma_start3A_36, %multiple_of3A] : memref<512x1024xi32, #tpu.memory_space<hbm>> -> memref<512x128xi32, #tpu.memory_space<hbm>>
    tpu.enqueue_dma source(%dma_start3A_37 : memref<512x128xi32, #tpu.memory_space<hbm>>) target(%arg7 : memref<512x128xi32, #tpu.memory_space<vmem>>) target_semaphore(%arg12 : memref<!tpu.dma_semaphore, #tpu.memory_space<semaphore_mem>>)
    %dma_start3A_38 = arith.constant 0 : i32
    %dma_start3A_39 = tpu.memref_slice %arg3[%dma_start3A_38, %multiple_of3A] : memref<100x1024xi32, #tpu.memory_space<hbm>> -> memref<100x128xi32, #tpu.memory_space<hbm>>
    %dma_start3A_40 = arith.constant 0 : i32
    %dma_start3A_41 = tpu.memref_slice %arg3[%dma_start3A_40, %multiple_of3A] : memref<100x1024xi32, #tpu.memory_space<hbm>> -> memref<100x128xi32, #tpu.memory_space<hbm>>
    tpu.enqueue_dma source(%dma_start3A_41 : memref<100x128xi32, #tpu.memory_space<hbm>>) target(%arg8 : memref<100x128xi32, #tpu.memory_space<vmem>>) target_semaphore(%arg12 : memref<!tpu.dma_semaphore, #tpu.memory_space<semaphore_mem>>)
    %dma_start3A_42 = arith.constant 0 : i32
    %dma_start3A_43 = tpu.memref_slice %arg4[%dma_start3A_42, %multiple_of3A] : memref<20x1024xf32, #tpu.memory_space<hbm>> -> memref<20x128xf32, #tpu.memory_space<hbm>>
    %dma_start3A_44 = arith.constant 0 : i32
    %dma_start3A_45 = tpu.memref_slice %arg4[%dma_start3A_44, %multiple_of3A] : memref<20x1024xf32, #tpu.memory_space<hbm>> -> memref<20x128xf32, #tpu.memory_space<hbm>>
    tpu.enqueue_dma source(%dma_start3A_45 : memref<20x128xf32, #tpu.memory_space<hbm>>) target(%arg9 : memref<20x128xf32, #tpu.memory_space<vmem>>) target_semaphore(%arg12 : memref<!tpu.dma_semaphore, #tpu.memory_space<semaphore_mem>>)
    %dma_start3A_46 = arith.constant 0 : i32
    %dma_start3A_47 = tpu.memref_slice %arg5[%dma_start3A_46, %multiple_of3A] : memref<10x1024xf32, #tpu.memory_space<hbm>> -> memref<10x128xf32, #tpu.memory_space<hbm>>
    %dma_start3A_48 = arith.constant 0 : i32
    %dma_start3A_49 = tpu.memref_slice %arg5[%dma_start3A_48, %multiple_of3A] : memref<10x1024xf32, #tpu.memory_space<hbm>> -> memref<10x128xf32, #tpu.memory_space<hbm>>
    tpu.enqueue_dma source(%dma_start3A_49 : memref<10x128xf32, #tpu.memory_space<hbm>>) target(%arg10 : memref<10x128xf32, #tpu.memory_space<vmem>>) target_semaphore(%arg12 : memref<!tpu.dma_semaphore, #tpu.memory_space<semaphore_mem>>)
    %dma_wait3A = arith.constant 0 : i32
    %dma_wait3A_50 = tpu.memref_slice %arg2[%dma_wait3A, %multiple_of3A] : memref<512x1024xi32, #tpu.memory_space<hbm>> -> memref<512x128xi32, #tpu.memory_space<hbm>>
    %dma_wait3A_51 = arith.constant 0 : i32
    %dma_wait3A_52 = tpu.memref_slice %arg2[%dma_wait3A_51, %multiple_of3A] : memref<512x1024xi32, #tpu.memory_space<hbm>> -> memref<512x128xi32, #tpu.memory_space<hbm>>
    tpu.wait_dma2 semaphore(%arg12 : memref<!tpu.dma_semaphore, #tpu.memory_space<semaphore_mem>>) src(%dma_wait3A_52 : memref<512x128xi32, #tpu.memory_space<hbm>>) dst(%arg7 : memref<512x128xi32, #tpu.memory_space<vmem>>)
    %dma_wait3A_53 = arith.constant 0 : i32
    %dma_wait3A_54 = tpu.memref_slice %arg3[%dma_wait3A_53, %multiple_of3A] : memref<100x1024xi32, #tpu.memory_space<hbm>> -> memref<100x128xi32, #tpu.memory_space<hbm>>
    %dma_wait3A_55 = arith.constant 0 : i32
    %dma_wait3A_56 = tpu.memref_slice %arg3[%dma_wait3A_55, %multiple_of3A] : memref<100x1024xi32, #tpu.memory_space<hbm>> -> memref<100x128xi32, #tpu.memory_space<hbm>>
    tpu.wait_dma2 semaphore(%arg12 : memref<!tpu.dma_semaphore, #tpu.memory_space<semaphore_mem>>) src(%dma_wait3A_56 : memref<100x128xi32, #tpu.memory_space<hbm>>) dst(%arg8 : memref<100x128xi32, #tpu.memory_space<vmem>>)
    %dma_wait3A_57 = arith.constant 0 : i32
    %dma_wait3A_58 = tpu.memref_slice %arg4[%dma_wait3A_57, %multiple_of3A] : memref<20x1024xf32, #tpu.memory_space<hbm>> -> memref<20x128xf32, #tpu.memory_space<hbm>>
    %dma_wait3A_59 = arith.constant 0 : i32
    %dma_wait3A_60 = tpu.memref_slice %arg4[%dma_wait3A_59, %multiple_of3A] : memref<20x1024xf32, #tpu.memory_space<hbm>> -> memref<20x128xf32, #tpu.memory_space<hbm>>
    tpu.wait_dma2 semaphore(%arg12 : memref<!tpu.dma_semaphore, #tpu.memory_space<semaphore_mem>>) src(%dma_wait3A_60 : memref<20x128xf32, #tpu.memory_space<hbm>>) dst(%arg9 : memref<20x128xf32, #tpu.memory_space<vmem>>)
    %dma_wait3A_61 = arith.constant 0 : i32
    %dma_wait3A_62 = tpu.memref_slice %arg5[%dma_wait3A_61, %multiple_of3A] : memref<10x1024xf32, #tpu.memory_space<hbm>> -> memref<10x128xf32, #tpu.memory_space<hbm>>
    %dma_wait3A_63 = arith.constant 0 : i32
    %dma_wait3A_64 = tpu.memref_slice %arg5[%dma_wait3A_63, %multiple_of3A] : memref<10x1024xf32, #tpu.memory_space<hbm>> -> memref<10x128xf32, #tpu.memory_space<hbm>>
    tpu.wait_dma2 semaphore(%arg12 : memref<!tpu.dma_semaphore, #tpu.memory_space<semaphore_mem>>) src(%dma_wait3A_64 : memref<10x128xf32, #tpu.memory_space<hbm>>) dst(%arg10 : memref<10x128xf32, #tpu.memory_space<vmem>>)
    %scan3A = arith.constant 0 : i32
    %scan3A_65 = arith.constant 0 : i32
    %scan3A_66 = arith.constant 2 : i32
    %scan3A_67 = arith.addi %scan3A_65, %scan3A_66 : i32
    %scan3A_68 = arith.constant 1 : i32
    %scan3A_69 = scf.for %scan3A_73 = %scan3A_65 to %scan3A_67 step %scan3A_68 iter_args(%scan3A_74 = %scan3A) -> (i32)  : i32 {
      %mul3A_75 = arith.constant 16 : i32
      %mul3A_76 = arith.muli %scan3A_73, %mul3A_75 : i32
      %add3A_77 = arith.addi %mul3A_34, %mul3A_76 : i32
      %add3A_78 = vector.broadcast %add3A_77 : i32 to vector<16xi32>
      %add3A_79 = arith.addi %add3A_78, %iota3A : vector<16xi32>
      %get3A = arith.constant 0 : i32
      %get3A_80 = arith.index_cast %get3A : i32 to index
      %get3A_81 = arith.index_cast %add3A_77 : i32 to index
      %get3A_82 = tpu.vector_load %arg9[%get3A_80, %get3A_81] {strides = array<i32>} : memref<20x128xf32, #tpu.memory_space<vmem>>, vector<16xf32>,
      %get3A_83 = arith.constant 1 : i32
      %get3A_84 = arith.index_cast %get3A_83 : i32 to index
      %get3A_85 = arith.index_cast %add3A_77 : i32 to index
      %get3A_86 = tpu.vector_load %arg9[%get3A_84, %get3A_85] {strides = array<i32>} : memref<20x128xf32, #tpu.memory_space<vmem>>, vector<16xf32>,
      %get3A_87 = arith.constant 2 : i32
      %get3A_88 = arith.index_cast %get3A_87 : i32 to index
      %get3A_89 = arith.index_cast %add3A_77 : i32 to index
      %get3A_90 = tpu.vector_load %arg9[%get3A_88, %get3A_89] {strides = array<i32>} : memref<20x128xf32, #tpu.memory_space<vmem>>, vector<16xf32>,
      %get3A_91 = arith.constant 3 : i32
      %get3A_92 = arith.index_cast %get3A_91 : i32 to index
      %get3A_93 = arith.index_cast %add3A_77 : i32 to index
      %get3A_94 = tpu.vector_load %arg9[%get3A_92, %get3A_93] {strides = array<i32>} : memref<20x128xf32, #tpu.memory_space<vmem>>, vector<16xf32>,
      %get3A_95 = arith.constant 4 : i32
      %get3A_96 = arith.index_cast %get3A_95 : i32 to index
      %get3A_97 = arith.index_cast %add3A_77 : i32 to index
      %get3A_98 = tpu.vector_load %arg9[%get3A_96, %get3A_97] {strides = array<i32>} : memref<20x128xf32, #tpu.memory_space<vmem>>, vector<16xf32>,
      %get3A_99 = arith.constant 5 : i32
      %get3A_100 = arith.index_cast %get3A_99 : i32 to index
      %get3A_101 = arith.index_cast %add3A_77 : i32 to index
      %get3A_102 = tpu.vector_load %arg9[%get3A_100, %get3A_101] {strides = array<i32>} : memref<20x128xf32, #tpu.memory_space<vmem>>, vector<16xf32>,
      %get3A_103 = arith.constant 6 : i32
      %get3A_104 = arith.index_cast %get3A_103 : i32 to index
      %get3A_105 = arith.index_cast %add3A_77 : i32 to index
      %get3A_106 = tpu.vector_load %arg9[%get3A_104, %get3A_105] {strides = array<i32>} : memref<20x128xf32, #tpu.memory_space<vmem>>, vector<16xf32>,
      %get3A_107 = arith.constant 7 : i32
      %get3A_108 = arith.index_cast %get3A_107 : i32 to index
      %get3A_109 = arith.index_cast %add3A_77 : i32 to index
      %get3A_110 = tpu.vector_load %arg9[%get3A_108, %get3A_109] {strides = array<i32>} : memref<20x128xf32, #tpu.memory_space<vmem>>, vector<16xf32>,
      %get3A_111 = arith.constant 8 : i32
      %get3A_112 = arith.index_cast %get3A_111 : i32 to index
      %get3A_113 = arith.index_cast %add3A_77 : i32 to index
      %get3A_114 = tpu.vector_load %arg9[%get3A_112, %get3A_113] {strides = array<i32>} : memref<20x128xf32, #tpu.memory_space<vmem>>, vector<16xf32>,
      %get3A_115 = arith.constant 9 : i32
      %get3A_116 = arith.index_cast %get3A_115 : i32 to index
      %get3A_117 = arith.index_cast %add3A_77 : i32 to index
      %get3A_118 = tpu.vector_load %arg9[%get3A_116, %get3A_117] {strides = array<i32>} : memref<20x128xf32, #tpu.memory_space<vmem>>, vector<16xf32>,
      %get3A_119 = arith.constant 10 : i32
      %get3A_120 = arith.index_cast %get3A_119 : i32 to index
      %get3A_121 = arith.index_cast %add3A_77 : i32 to index
      %get3A_122 = tpu.vector_load %arg9[%get3A_120, %get3A_121] {strides = array<i32>} : memref<20x128xf32, #tpu.memory_space<vmem>>, vector<16xf32>,
      %get3A_123 = arith.constant 11 : i32
      %get3A_124 = arith.index_cast %get3A_123 : i32 to index
      %get3A_125 = arith.index_cast %add3A_77 : i32 to index
      %get3A_126 = tpu.vector_load %arg9[%get3A_124, %get3A_125] {strides = array<i32>} : memref<20x128xf32, #tpu.memory_space<vmem>>, vector<16xf32>,
      %get3A_127 = arith.constant 12 : i32
      %get3A_128 = arith.index_cast %get3A_127 : i32 to index
      %get3A_129 = arith.index_cast %add3A_77 : i32 to index
      %get3A_130 = tpu.vector_load %arg9[%get3A_128, %get3A_129] {strides = array<i32>} : memref<20x128xf32, #tpu.memory_space<vmem>>, vector<16xf32>,
      %get3A_131 = arith.constant 13 : i32
      %get3A_132 = arith.index_cast %get3A_131 : i32 to index
      %get3A_133 = arith.index_cast %add3A_77 : i32 to index
      %get3A_134 = tpu.vector_load %arg9[%get3A_132, %get3A_133] {strides = array<i32>} : memref<20x128xf32, #tpu.memory_space<vmem>>, vector<16xf32>,
      %get3A_135 = arith.constant 14 : i32
      %get3A_136 = arith.index_cast %get3A_135 : i32 to index
      %get3A_137 = arith.index_cast %add3A_77 : i32 to index
      %get3A_138 = tpu.vector_load %arg9[%get3A_136, %get3A_137] {strides = array<i32>} : memref<20x128xf32, #tpu.memory_space<vmem>>, vector<16xf32>,
      %get3A_139 = arith.constant 15 : i32
      %get3A_140 = arith.index_cast %get3A_139 : i32 to index
      %get3A_141 = arith.index_cast %add3A_77 : i32 to index
      %get3A_142 = tpu.vector_load %arg9[%get3A_140, %get3A_141] {strides = array<i32>} : memref<20x128xf32, #tpu.memory_space<vmem>>, vector<16xf32>,
      %get3A_143 = arith.constant 16 : i32
      %get3A_144 = arith.index_cast %get3A_143 : i32 to index
      %get3A_145 = arith.index_cast %add3A_77 : i32 to index
      %get3A_146 = tpu.vector_load %arg9[%get3A_144, %get3A_145] {strides = array<i32>} : memref<20x128xf32, #tpu.memory_space<vmem>>, vector<16xf32>,
      %get3A_147 = arith.constant 17 : i32
      %get3A_148 = arith.index_cast %get3A_147 : i32 to index
      %get3A_149 = arith.index_cast %add3A_77 : i32 to index
      %get3A_150 = tpu.vector_load %arg9[%get3A_148, %get3A_149] {strides = array<i32>} : memref<20x128xf32, #tpu.memory_space<vmem>>, vector<16xf32>,
      %get3A_151 = arith.constant 18 : i32
      %get3A_152 = arith.index_cast %get3A_151 : i32 to index
      %get3A_153 = arith.index_cast %add3A_77 : i32 to index
      %get3A_154 = tpu.vector_load %arg9[%get3A_152, %get3A_153] {strides = array<i32>} : memref<20x128xf32, #tpu.memory_space<vmem>>, vector<16xf32>,
      %get3A_155 = arith.constant 19 : i32
      %get3A_156 = arith.index_cast %get3A_155 : i32 to index
      %get3A_157 = arith.index_cast %add3A_77 : i32 to index
      %get3A_158 = tpu.vector_load %arg9[%get3A_156, %get3A_157] {strides = array<i32>} : memref<20x128xf32, #tpu.memory_space<vmem>>, vector<16xf32>,
      %broadcast_in_dim3A = arith.constant 1.000000e+09 : f32
      %broadcast_in_dim3A_159 = vector.broadcast %broadcast_in_dim3A : f32 to vector<16xf32>
      %broadcast_in_dim3A_160 = arith.constant 0 : i32
      %broadcast_in_dim3A_161 = vector.broadcast %broadcast_in_dim3A_160 : i32 to vector<16xi32>
      %scan3A_162 = arith.constant 0 : i32
      %scan3A_163 = arith.constant 100 : i32
      %scan3A_164 = arith.addi %scan3A_162, %scan3A_163 : i32
      %scan3A_165 = arith.constant 1 : i32
      %scan3A_166:2 = scf.for %scan3A_323 = %scan3A_162 to %scan3A_164 step %scan3A_165 iter_args(%scan3A_324 = %broadcast_in_dim3A_159, %scan3A_325 = %broadcast_in_dim3A_161) -> (vector<16xf32>, vector<16xi32>)  : i32 {
        %get3A_326 = arith.index_cast %scan3A_323 : i32 to index
        %get3A_327 = arith.index_cast %add3A_77 : i32 to index
        %get3A_328 = tpu.vector_load %arg8[%get3A_326, %get3A_327] {strides = array<i32>} : memref<100x128xi32, #tpu.memory_space<vmem>>, vector<16xi32>,
        %gather3A = tpu.vector_load_idx %arg7[%get3A_328, %add3A_79] : memref<512x128xi32, #tpu.memory_space<vmem>>[vector<16xi32>, vector<16xi32>], vector<16xi32>,
        %and3A_329 = arith.constant 1 : i32
        %and3A_330 = vector.broadcast %and3A_329 : i32 to vector<16xi32>
        %and3A_331 = arith.andi %gather3A, %and3A_330 : vector<16xi32>
        %ne3A_332 = arith.constant 0 : i32
        %ne3A_333 = vector.broadcast %ne3A_332 : i32 to vector<16xi32>
        %ne3A_334 = arith.cmpi ne, %and3A_331, %ne3A_333 : vector<16xi32>
        %jit3A_335 = arith.constant 1.000000e+09 : f32
        %broadcast_in_dim3A_336 = vector.broadcast %jit3A_335 : f32 to vector<16xf32>
        %select_n3A_337 = arith.select %ne3A_334, %get3A_82, %broadcast_in_dim3A_336 : vector<16xi1>, vector<16xf32>
        %broadcast_in_dim3A_338 = arith.constant 0 : i32
        %broadcast_in_dim3A_339 = vector.broadcast %broadcast_in_dim3A_338 : i32 to vector<16xi32>
        %and3A_340 = arith.constant 2 : i32
        %and3A_341 = vector.broadcast %and3A_340 : i32 to vector<16xi32>
        %and3A_342 = arith.andi %gather3A, %and3A_341 : vector<16xi32>
        %ne3A_343 = arith.constant 0 : i32
        %ne3A_344 = vector.broadcast %ne3A_343 : i32 to vector<16xi32>
        %ne3A_345 = arith.cmpi ne, %and3A_342, %ne3A_344 : vector<16xi32>
        %jit3A_346 = arith.constant 1.000000e+09 : f32
        %broadcast_in_dim3A_347 = vector.broadcast %jit3A_346 : f32 to vector<16xf32>
        %select_n3A_348 = arith.select %ne3A_345, %get3A_86, %broadcast_in_dim3A_347 : vector<16xi1>, vector<16xf32>
        %broadcast_in_dim3A_349 = arith.constant 1 : i32
        %broadcast_in_dim3A_350 = vector.broadcast %broadcast_in_dim3A_349 : i32 to vector<16xi32>
        %and3A_351 = arith.constant 4 : i32
        %and3A_352 = vector.broadcast %and3A_351 : i32 to vector<16xi32>
        %and3A_353 = arith.andi %gather3A, %and3A_352 : vector<16xi32>
        %ne3A_354 = arith.constant 0 : i32
        %ne3A_355 = vector.broadcast %ne3A_354 : i32 to vector<16xi32>
        %ne3A_356 = arith.cmpi ne, %and3A_353, %ne3A_355 : vector<16xi32>
        %jit3A_357 = arith.constant 1.000000e+09 : f32
        %broadcast_in_dim3A_358 = vector.broadcast %jit3A_357 : f32 to vector<16xf32>
        %select_n3A_359 = arith.select %ne3A_356, %get3A_90, %broadcast_in_dim3A_358 : vector<16xi1>, vector<16xf32>
        %broadcast_in_dim3A_360 = arith.constant 2 : i32
        %broadcast_in_dim3A_361 = vector.broadcast %broadcast_in_dim3A_360 : i32 to vector<16xi32>
        %and3A_362 = arith.constant 8 : i32
        %and3A_363 = vector.broadcast %and3A_362 : i32 to vector<16xi32>
        %and3A_364 = arith.andi %gather3A, %and3A_363 : vector<16xi32>
        %ne3A_365 = arith.constant 0 : i32
        %ne3A_366 = vector.broadcast %ne3A_365 : i32 to vector<16xi32>
        %ne3A_367 = arith.cmpi ne, %and3A_364, %ne3A_366 : vector<16xi32>
        %jit3A_368 = arith.constant 1.000000e+09 : f32
        %broadcast_in_dim3A_369 = vector.broadcast %jit3A_368 : f32 to vector<16xf32>
        %select_n3A_370 = arith.select %ne3A_367, %get3A_94, %broadcast_in_dim3A_369 : vector<16xi1>, vector<16xf32>
        %broadcast_in_dim3A_371 = arith.constant 3 : i32
        %broadcast_in_dim3A_372 = vector.broadcast %broadcast_in_dim3A_371 : i32 to vector<16xi32>
        %and3A_373 = arith.constant 16 : i32
        %and3A_374 = vector.broadcast %and3A_373 : i32 to vector<16xi32>
        %and3A_375 = arith.andi %gather3A, %and3A_374 : vector<16xi32>
        %ne3A_376 = arith.constant 0 : i32
        %ne3A_377 = vector.broadcast %ne3A_376 : i32 to vector<16xi32>
        %ne3A_378 = arith.cmpi ne, %and3A_375, %ne3A_377 : vector<16xi32>
        %jit3A_379 = arith.constant 1.000000e+09 : f32
        %broadcast_in_dim3A_380 = vector.broadcast %jit3A_379 : f32 to vector<16xf32>
        %select_n3A_381 = arith.select %ne3A_378, %get3A_98, %broadcast_in_dim3A_380 : vector<16xi1>, vector<16xf32>
        %broadcast_in_dim3A_382 = arith.constant 4 : i32
        %broadcast_in_dim3A_383 = vector.broadcast %broadcast_in_dim3A_382 : i32 to vector<16xi32>
        %and3A_384 = arith.constant 32 : i32
        %and3A_385 = vector.broadcast %and3A_384 : i32 to vector<16xi32>
        %and3A_386 = arith.andi %gather3A, %and3A_385 : vector<16xi32>
        %ne3A_387 = arith.constant 0 : i32
        %ne3A_388 = vector.broadcast %ne3A_387 : i32 to vector<16xi32>
        %ne3A_389 = arith.cmpi ne, %and3A_386, %ne3A_388 : vector<16xi32>
        %jit3A_390 = arith.constant 1.000000e+09 : f32
        %broadcast_in_dim3A_391 = vector.broadcast %jit3A_390 : f32 to vector<16xf32>
        %select_n3A_392 = arith.select %ne3A_389, %get3A_102, %broadcast_in_dim3A_391 : vector<16xi1>, vector<16xf32>
        %broadcast_in_dim3A_393 = arith.constant 5 : i32
        %broadcast_in_dim3A_394 = vector.broadcast %broadcast_in_dim3A_393 : i32 to vector<16xi32>
        %and3A_395 = arith.constant 64 : i32
        %and3A_396 = vector.broadcast %and3A_395 : i32 to vector<16xi32>
        %and3A_397 = arith.andi %gather3A, %and3A_396 : vector<16xi32>
        %ne3A_398 = arith.constant 0 : i32
        %ne3A_399 = vector.broadcast %ne3A_398 : i32 to vector<16xi32>
        %ne3A_400 = arith.cmpi ne, %and3A_397, %ne3A_399 : vector<16xi32>
        %jit3A_401 = arith.constant 1.000000e+09 : f32
        %broadcast_in_dim3A_402 = vector.broadcast %jit3A_401 : f32 to vector<16xf32>
        %select_n3A_403 = arith.select %ne3A_400, %get3A_106, %broadcast_in_dim3A_402 : vector<16xi1>, vector<16xf32>
        %broadcast_in_dim3A_404 = arith.constant 6 : i32
        %broadcast_in_dim3A_405 = vector.broadcast %broadcast_in_dim3A_404 : i32 to vector<16xi32>
        %and3A_406 = arith.constant 128 : i32
        %and3A_407 = vector.broadcast %and3A_406 : i32 to vector<16xi32>
        %and3A_408 = arith.andi %gather3A, %and3A_407 : vector<16xi32>
        %ne3A_409 = arith.constant 0 : i32
        %ne3A_410 = vector.broadcast %ne3A_409 : i32 to vector<16xi32>
        %ne3A_411 = arith.cmpi ne, %and3A_408, %ne3A_410 : vector<16xi32>
        %jit3A_412 = arith.constant 1.000000e+09 : f32
        %broadcast_in_dim3A_413 = vector.broadcast %jit3A_412 : f32 to vector<16xf32>
        %select_n3A_414 = arith.select %ne3A_411, %get3A_110, %broadcast_in_dim3A_413 : vector<16xi1>, vector<16xf32>
        %broadcast_in_dim3A_415 = arith.constant 7 : i32
        %broadcast_in_dim3A_416 = vector.broadcast %broadcast_in_dim3A_415 : i32 to vector<16xi32>
        %and3A_417 = arith.constant 256 : i32
        %and3A_418 = vector.broadcast %and3A_417 : i32 to vector<16xi32>
        %and3A_419 = arith.andi %gather3A, %and3A_418 : vector<16xi32>
        %ne3A_420 = arith.constant 0 : i32
        %ne3A_421 = vector.broadcast %ne3A_420 : i32 to vector<16xi32>
        %ne3A_422 = arith.cmpi ne, %and3A_419, %ne3A_421 : vector<16xi32>
        %jit3A_423 = arith.constant 1.000000e+09 : f32
        %broadcast_in_dim3A_424 = vector.broadcast %jit3A_423 : f32 to vector<16xf32>
        %select_n3A_425 = arith.select %ne3A_422, %get3A_114, %broadcast_in_dim3A_424 : vector<16xi1>, vector<16xf32>
        %broadcast_in_dim3A_426 = arith.constant 8 : i32
        %broadcast_in_dim3A_427 = vector.broadcast %broadcast_in_dim3A_426 : i32 to vector<16xi32>
        %and3A_428 = arith.constant 512 : i32
        %and3A_429 = vector.broadcast %and3A_428 : i32 to vector<16xi32>
        %and3A_430 = arith.andi %gather3A, %and3A_429 : vector<16xi32>
        %ne3A_431 = arith.constant 0 : i32
        %ne3A_432 = vector.broadcast %ne3A_431 : i32 to vector<16xi32>
        %ne3A_433 = arith.cmpi ne, %and3A_430, %ne3A_432 : vector<16xi32>
        %jit3A_434 = arith.constant 1.000000e+09 : f32
        %broadcast_in_dim3A_435 = vector.broadcast %jit3A_434 : f32 to vector<16xf32>
        %select_n3A_436 = arith.select %ne3A_433, %get3A_118, %broadcast_in_dim3A_435 : vector<16xi1>, vector<16xf32>
        %broadcast_in_dim3A_437 = arith.constant 9 : i32
        %broadcast_in_dim3A_438 = vector.broadcast %broadcast_in_dim3A_437 : i32 to vector<16xi32>
        %and3A_439 = arith.constant 1024 : i32
        %and3A_440 = vector.broadcast %and3A_439 : i32 to vector<16xi32>
        %and3A_441 = arith.andi %gather3A, %and3A_440 : vector<16xi32>
        %ne3A_442 = arith.constant 0 : i32
        %ne3A_443 = vector.broadcast %ne3A_442 : i32 to vector<16xi32>
        %ne3A_444 = arith.cmpi ne, %and3A_441, %ne3A_443 : vector<16xi32>
        %jit3A_445 = arith.constant 1.000000e+09 : f32
        %broadcast_in_dim3A_446 = vector.broadcast %jit3A_445 : f32 to vector<16xf32>
        %select_n3A_447 = arith.select %ne3A_444, %get3A_122, %broadcast_in_dim3A_446 : vector<16xi1>, vector<16xf32>
        %broadcast_in_dim3A_448 = arith.constant 10 : i32
        %broadcast_in_dim3A_449 = vector.broadcast %broadcast_in_dim3A_448 : i32 to vector<16xi32>
        %and3A_450 = arith.constant 2048 : i32
        %and3A_451 = vector.broadcast %and3A_450 : i32 to vector<16xi32>
        %and3A_452 = arith.andi %gather3A, %and3A_451 : vector<16xi32>
        %ne3A_453 = arith.constant 0 : i32
        %ne3A_454 = vector.broadcast %ne3A_453 : i32 to vector<16xi32>
        %ne3A_455 = arith.cmpi ne, %and3A_452, %ne3A_454 : vector<16xi32>
        %jit3A_456 = arith.constant 1.000000e+09 : f32
        %broadcast_in_dim3A_457 = vector.broadcast %jit3A_456 : f32 to vector<16xf32>
        %select_n3A_458 = arith.select %ne3A_455, %get3A_126, %broadcast_in_dim3A_457 : vector<16xi1>, vector<16xf32>
        %broadcast_in_dim3A_459 = arith.constant 11 : i32
        %broadcast_in_dim3A_460 = vector.broadcast %broadcast_in_dim3A_459 : i32 to vector<16xi32>
        %and3A_461 = arith.constant 4096 : i32
        %and3A_462 = vector.broadcast %and3A_461 : i32 to vector<16xi32>
        %and3A_463 = arith.andi %gather3A, %and3A_462 : vector<16xi32>
        %ne3A_464 = arith.constant 0 : i32
        %ne3A_465 = vector.broadcast %ne3A_464 : i32 to vector<16xi32>
        %ne3A_466 = arith.cmpi ne, %and3A_463, %ne3A_465 : vector<16xi32>
        %jit3A_467 = arith.constant 1.000000e+09 : f32
        %broadcast_in_dim3A_468 = vector.broadcast %jit3A_467 : f32 to vector<16xf32>
        %select_n3A_469 = arith.select %ne3A_466, %get3A_130, %broadcast_in_dim3A_468 : vector<16xi1>, vector<16xf32>
        %broadcast_in_dim3A_470 = arith.constant 12 : i32
        %broadcast_in_dim3A_471 = vector.broadcast %broadcast_in_dim3A_470 : i32 to vector<16xi32>
        %and3A_472 = arith.constant 8192 : i32
        %and3A_473 = vector.broadcast %and3A_472 : i32 to vector<16xi32>
        %and3A_474 = arith.andi %gather3A, %and3A_473 : vector<16xi32>
        %ne3A_475 = arith.constant 0 : i32
        %ne3A_476 = vector.broadcast %ne3A_475 : i32 to vector<16xi32>
        %ne3A_477 = arith.cmpi ne, %and3A_474, %ne3A_476 : vector<16xi32>
        %jit3A_478 = arith.constant 1.000000e+09 : f32
        %broadcast_in_dim3A_479 = vector.broadcast %jit3A_478 : f32 to vector<16xf32>
        %select_n3A_480 = arith.select %ne3A_477, %get3A_134, %broadcast_in_dim3A_479 : vector<16xi1>, vector<16xf32>
        %broadcast_in_dim3A_481 = arith.constant 13 : i32
        %broadcast_in_dim3A_482 = vector.broadcast %broadcast_in_dim3A_481 : i32 to vector<16xi32>
        %and3A_483 = arith.constant 16384 : i32
        %and3A_484 = vector.broadcast %and3A_483 : i32 to vector<16xi32>
        %and3A_485 = arith.andi %gather3A, %and3A_484 : vector<16xi32>
        %ne3A_486 = arith.constant 0 : i32
        %ne3A_487 = vector.broadcast %ne3A_486 : i32 to vector<16xi32>
        %ne3A_488 = arith.cmpi ne, %and3A_485, %ne3A_487 : vector<16xi32>
        %jit3A_489 = arith.constant 1.000000e+09 : f32
        %broadcast_in_dim3A_490 = vector.broadcast %jit3A_489 : f32 to vector<16xf32>
        %select_n3A_491 = arith.select %ne3A_488, %get3A_138, %broadcast_in_dim3A_490 : vector<16xi1>, vector<16xf32>
        %broadcast_in_dim3A_492 = arith.constant 14 : i32
        %broadcast_in_dim3A_493 = vector.broadcast %broadcast_in_dim3A_492 : i32 to vector<16xi32>
        %and3A_494 = arith.constant 32768 : i32
        %and3A_495 = vector.broadcast %and3A_494 : i32 to vector<16xi32>
        %and3A_496 = arith.andi %gather3A, %and3A_495 : vector<16xi32>
        %ne3A_497 = arith.constant 0 : i32
        %ne3A_498 = vector.broadcast %ne3A_497 : i32 to vector<16xi32>
        %ne3A_499 = arith.cmpi ne, %and3A_496, %ne3A_498 : vector<16xi32>
        %jit3A_500 = arith.constant 1.000000e+09 : f32
        %broadcast_in_dim3A_501 = vector.broadcast %jit3A_500 : f32 to vector<16xf32>
        %select_n3A_502 = arith.select %ne3A_499, %get3A_142, %broadcast_in_dim3A_501 : vector<16xi1>, vector<16xf32>
        %broadcast_in_dim3A_503 = arith.constant 15 : i32
        %broadcast_in_dim3A_504 = vector.broadcast %broadcast_in_dim3A_503 : i32 to vector<16xi32>
        %and3A_505 = arith.constant 65536 : i32
        %and3A_506 = vector.broadcast %and3A_505 : i32 to vector<16xi32>
        %and3A_507 = arith.andi %gather3A, %and3A_506 : vector<16xi32>
        %ne3A_508 = arith.constant 0 : i32
        %ne3A_509 = vector.broadcast %ne3A_508 : i32 to vector<16xi32>
        %ne3A_510 = arith.cmpi ne, %and3A_507, %ne3A_509 : vector<16xi32>
        %jit3A_511 = arith.constant 1.000000e+09 : f32
        %broadcast_in_dim3A_512 = vector.broadcast %jit3A_511 : f32 to vector<16xf32>
        %select_n3A_513 = arith.select %ne3A_510, %get3A_146, %broadcast_in_dim3A_512 : vector<16xi1>, vector<16xf32>
        %broadcast_in_dim3A_514 = arith.constant 16 : i32
        %broadcast_in_dim3A_515 = vector.broadcast %broadcast_in_dim3A_514 : i32 to vector<16xi32>
        %and3A_516 = arith.constant 131072 : i32
        %and3A_517 = vector.broadcast %and3A_516 : i32 to vector<16xi32>
        %and3A_518 = arith.andi %gather3A, %and3A_517 : vector<16xi32>
        %ne3A_519 = arith.constant 0 : i32
        %ne3A_520 = vector.broadcast %ne3A_519 : i32 to vector<16xi32>
        %ne3A_521 = arith.cmpi ne, %and3A_518, %ne3A_520 : vector<16xi32>
        %jit3A_522 = arith.constant 1.000000e+09 : f32
        %broadcast_in_dim3A_523 = vector.broadcast %jit3A_522 : f32 to vector<16xf32>
        %select_n3A_524 = arith.select %ne3A_521, %get3A_150, %broadcast_in_dim3A_523 : vector<16xi1>, vector<16xf32>
        %broadcast_in_dim3A_525 = arith.constant 17 : i32
        %broadcast_in_dim3A_526 = vector.broadcast %broadcast_in_dim3A_525 : i32 to vector<16xi32>
        %and3A_527 = arith.constant 262144 : i32
        %and3A_528 = vector.broadcast %and3A_527 : i32 to vector<16xi32>
        %and3A_529 = arith.andi %gather3A, %and3A_528 : vector<16xi32>
        %ne3A_530 = arith.constant 0 : i32
        %ne3A_531 = vector.broadcast %ne3A_530 : i32 to vector<16xi32>
        %ne3A_532 = arith.cmpi ne, %and3A_529, %ne3A_531 : vector<16xi32>
        %jit3A_533 = arith.constant 1.000000e+09 : f32
        %broadcast_in_dim3A_534 = vector.broadcast %jit3A_533 : f32 to vector<16xf32>
        %select_n3A_535 = arith.select %ne3A_532, %get3A_154, %broadcast_in_dim3A_534 : vector<16xi1>, vector<16xf32>
        %broadcast_in_dim3A_536 = arith.constant 18 : i32
        %broadcast_in_dim3A_537 = vector.broadcast %broadcast_in_dim3A_536 : i32 to vector<16xi32>
        %and3A_538 = arith.constant 524288 : i32
        %and3A_539 = vector.broadcast %and3A_538 : i32 to vector<16xi32>
        %and3A_540 = arith.andi %gather3A, %and3A_539 : vector<16xi32>
        %ne3A_541 = arith.constant 0 : i32
        %ne3A_542 = vector.broadcast %ne3A_541 : i32 to vector<16xi32>
        %ne3A_543 = arith.cmpi ne, %and3A_540, %ne3A_542 : vector<16xi32>
        %jit3A_544 = arith.constant 1.000000e+09 : f32
        %broadcast_in_dim3A_545 = vector.broadcast %jit3A_544 : f32 to vector<16xf32>
        %select_n3A_546 = arith.select %ne3A_543, %get3A_158, %broadcast_in_dim3A_545 : vector<16xi1>, vector<16xf32>
        %broadcast_in_dim3A_547 = arith.constant 19 : i32
        %broadcast_in_dim3A_548 = vector.broadcast %broadcast_in_dim3A_547 : i32 to vector<16xi32>
        %le3A = arith.cmpf ole, %select_n3A_337, %select_n3A_348 : vector<16xf32>
        %select_n3A_549 = arith.select %le3A, %select_n3A_337, %select_n3A_348 : vector<16xi1>, vector<16xf32>
        %select_n3A_550 = arith.select %le3A, %broadcast_in_dim3A_339, %broadcast_in_dim3A_350 : vector<16xi1>, vector<16xi32>
        %le3A_551 = arith.cmpf ole, %select_n3A_359, %select_n3A_370 : vector<16xf32>
        %select_n3A_552 = arith.select %le3A_551, %select_n3A_359, %select_n3A_370 : vector<16xi1>, vector<16xf32>
        %select_n3A_553 = arith.select %le3A_551, %broadcast_in_dim3A_361, %broadcast_in_dim3A_372 : vector<16xi1>, vector<16xi32>
        %le3A_554 = arith.cmpf ole, %select_n3A_381, %select_n3A_392 : vector<16xf32>
        %select_n3A_555 = arith.select %le3A_554, %select_n3A_381, %select_n3A_392 : vector<16xi1>, vector<16xf32>
        %select_n3A_556 = arith.select %le3A_554, %broadcast_in_dim3A_383, %broadcast_in_dim3A_394 : vector<16xi1>, vector<16xi32>
        %le3A_557 = arith.cmpf ole, %select_n3A_403, %select_n3A_414 : vector<16xf32>
        %select_n3A_558 = arith.select %le3A_557, %select_n3A_403, %select_n3A_414 : vector<16xi1>, vector<16xf32>
        %select_n3A_559 = arith.select %le3A_557, %broadcast_in_dim3A_405, %broadcast_in_dim3A_416 : vector<16xi1>, vector<16xi32>
        %le3A_560 = arith.cmpf ole, %select_n3A_425, %select_n3A_436 : vector<16xf32>
        %select_n3A_561 = arith.select %le3A_560, %select_n3A_425, %select_n3A_436 : vector<16xi1>, vector<16xf32>
        %select_n3A_562 = arith.select %le3A_560, %broadcast_in_dim3A_427, %broadcast_in_dim3A_438 : vector<16xi1>, vector<16xi32>
        %le3A_563 = arith.cmpf ole, %select_n3A_447, %select_n3A_458 : vector<16xf32>
        %select_n3A_564 = arith.select %le3A_563, %select_n3A_447, %select_n3A_458 : vector<16xi1>, vector<16xf32>
        %select_n3A_565 = arith.select %le3A_563, %broadcast_in_dim3A_449, %broadcast_in_dim3A_460 : vector<16xi1>, vector<16xi32>
        %le3A_566 = arith.cmpf ole, %select_n3A_469, %select_n3A_480 : vector<16xf32>
        %select_n3A_567 = arith.select %le3A_566, %select_n3A_469, %select_n3A_480 : vector<16xi1>, vector<16xf32>
        %select_n3A_568 = arith.select %le3A_566, %broadcast_in_dim3A_471, %broadcast_in_dim3A_482 : vector<16xi1>, vector<16xi32>
        %le3A_569 = arith.cmpf ole, %select_n3A_491, %select_n3A_502 : vector<16xf32>
        %select_n3A_570 = arith.select %le3A_569, %select_n3A_491, %select_n3A_502 : vector<16xi1>, vector<16xf32>
        %select_n3A_571 = arith.select %le3A_569, %broadcast_in_dim3A_493, %broadcast_in_dim3A_504 : vector<16xi1>, vector<16xi32>
        %le3A_572 = arith.cmpf ole, %select_n3A_513, %select_n3A_524 : vector<16xf32>
        %select_n3A_573 = arith.select %le3A_572, %select_n3A_513, %select_n3A_524 : vector<16xi1>, vector<16xf32>
        %select_n3A_574 = arith.select %le3A_572, %broadcast_in_dim3A_515, %broadcast_in_dim3A_526 : vector<16xi1>, vector<16xi32>
        %le3A_575 = arith.cmpf ole, %select_n3A_535, %select_n3A_546 : vector<16xf32>
        %select_n3A_576 = arith.select %le3A_575, %select_n3A_535, %select_n3A_546 : vector<16xi1>, vector<16xf32>
        %select_n3A_577 = arith.select %le3A_575, %broadcast_in_dim3A_537, %broadcast_in_dim3A_548 : vector<16xi1>, vector<16xi32>
        %le3A_578 = arith.cmpf ole, %select_n3A_549, %select_n3A_552 : vector<16xf32>
        %select_n3A_579 = arith.select %le3A_578, %select_n3A_549, %select_n3A_552 : vector<16xi1>, vector<16xf32>
        %select_n3A_580 = arith.select %le3A_578, %select_n3A_550, %select_n3A_553 : vector<16xi1>, vector<16xi32>
        %le3A_581 = arith.cmpf ole, %select_n3A_555, %select_n3A_558 : vector<16xf32>
        %select_n3A_582 = arith.select %le3A_581, %select_n3A_555, %select_n3A_558 : vector<16xi1>, vector<16xf32>
        %select_n3A_583 = arith.select %le3A_581, %select_n3A_556, %select_n3A_559 : vector<16xi1>, vector<16xi32>
        %le3A_584 = arith.cmpf ole, %select_n3A_561, %select_n3A_564 : vector<16xf32>
        %select_n3A_585 = arith.select %le3A_584, %select_n3A_561, %select_n3A_564 : vector<16xi1>, vector<16xf32>
        %select_n3A_586 = arith.select %le3A_584, %select_n3A_562, %select_n3A_565 : vector<16xi1>, vector<16xi32>
        %le3A_587 = arith.cmpf ole, %select_n3A_567, %select_n3A_570 : vector<16xf32>
        %select_n3A_588 = arith.select %le3A_587, %select_n3A_567, %select_n3A_570 : vector<16xi1>, vector<16xf32>
        %select_n3A_589 = arith.select %le3A_587, %select_n3A_568, %select_n3A_571 : vector<16xi1>, vector<16xi32>
        %le3A_590 = arith.cmpf ole, %select_n3A_573, %select_n3A_576 : vector<16xf32>
        %select_n3A_591 = arith.select %le3A_590, %select_n3A_573, %select_n3A_576 : vector<16xi1>, vector<16xf32>
        %select_n3A_592 = arith.select %le3A_590, %select_n3A_574, %select_n3A_577 : vector<16xi1>, vector<16xi32>
        %le3A_593 = arith.cmpf ole, %select_n3A_579, %select_n3A_582 : vector<16xf32>
        %select_n3A_594 = arith.select %le3A_593, %select_n3A_579, %select_n3A_582 : vector<16xi1>, vector<16xf32>
        %select_n3A_595 = arith.select %le3A_593, %select_n3A_580, %select_n3A_583 : vector<16xi1>, vector<16xi32>
        %le3A_596 = arith.cmpf ole, %select_n3A_585, %select_n3A_588 : vector<16xf32>
        %select_n3A_597 = arith.select %le3A_596, %select_n3A_585, %select_n3A_588 : vector<16xi1>, vector<16xf32>
        %select_n3A_598 = arith.select %le3A_596, %select_n3A_586, %select_n3A_589 : vector<16xi1>, vector<16xi32>
        %le3A_599 = arith.cmpf ole, %select_n3A_594, %select_n3A_597 : vector<16xf32>
        %select_n3A_600 = arith.select %le3A_599, %select_n3A_594, %select_n3A_597 : vector<16xi1>, vector<16xf32>
        %select_n3A_601 = arith.select %le3A_599, %select_n3A_595, %select_n3A_598 : vector<16xi1>, vector<16xi32>
        %le3A_602 = arith.cmpf ole, %select_n3A_600, %select_n3A_591 : vector<16xf32>
        %select_n3A_603 = arith.select %le3A_602, %select_n3A_600, %select_n3A_591 : vector<16xi1>, vector<16xf32>
        %select_n3A_604 = arith.select %le3A_602, %select_n3A_601, %select_n3A_592 : vector<16xi1>, vector<16xi32>
        %lt3A_605 = arith.cmpf olt, %select_n3A_603, %scan3A_324 : vector<16xf32>
        %select_n3A_606 = arith.select %lt3A_605, %select_n3A_603, %scan3A_324 : vector<16xi1>, vector<16xf32>
        %mul3A_607 = arith.constant 20 : i32
        %mul3A_608 = arith.muli %scan3A_323, %mul3A_607 : i32
        %add3A_609 = vector.broadcast %mul3A_608 : i32 to vector<16xi32>
        %add3A_610 = arith.addi %add3A_609, %select_n3A_604 : vector<16xi32>
        %select_n3A_611 = arith.select %lt3A_605, %add3A_610, %scan3A_325 : vector<16xi1>, vector<16xi32>
        scf.yield %select_n3A_606, %select_n3A_611 : vector<16xf32>, vector<16xi32>
      }
      %scan3A_167 = arith.constant 100 : i32
      %get3A_168 = arith.constant 0 : i32
      %get3A_169 = arith.index_cast %get3A_168 : i32 to index
      %get3A_170 = arith.index_cast %add3A_77 : i32 to index
      %get3A_171 = tpu.vector_load %arg10[%get3A_169, %get3A_170] {strides = array<i32>} : memref<10x128xf32, #tpu.memory_space<vmem>>, vector<16xf32>,
      %broadcast_in_dim3A_172 = arith.constant 0 : i32
      %broadcast_in_dim3A_173 = vector.broadcast %broadcast_in_dim3A_172 : i32 to vector<16xi32>
      %get3A_174 = arith.constant 1 : i32
      %get3A_175 = arith.index_cast %get3A_174 : i32 to index
      %get3A_176 = arith.index_cast %add3A_77 : i32 to index
      %get3A_177 = tpu.vector_load %arg10[%get3A_175, %get3A_176] {strides = array<i32>} : memref<10x128xf32, #tpu.memory_space<vmem>>, vector<16xf32>,
      %lt3A_178 = arith.cmpf olt, %get3A_177, %get3A_171 : vector<16xf32>
      %select_n3A_179 = arith.select %lt3A_178, %get3A_177, %get3A_171 : vector<16xi1>, vector<16xf32>
      %jit3A_180 = arith.constant 1 : i32
      %broadcast_in_dim3A_181 = vector.broadcast %jit3A_180 : i32 to vector<16xi32>
      %select_n3A_182 = arith.select %lt3A_178, %broadcast_in_dim3A_181, %broadcast_in_dim3A_173 : vector<16xi1>, vector<16xi32>
      %get3A_183 = arith.constant 2 : i32
      %get3A_184 = arith.index_cast %get3A_183 : i32 to index
      %get3A_185 = arith.index_cast %add3A_77 : i32 to index
      %get3A_186 = tpu.vector_load %arg10[%get3A_184, %get3A_185] {strides = array<i32>} : memref<10x128xf32, #tpu.memory_space<vmem>>, vector<16xf32>,
      %lt3A_187 = arith.cmpf olt, %get3A_186, %select_n3A_179 : vector<16xf32>
      %select_n3A_188 = arith.select %lt3A_187, %get3A_186, %select_n3A_179 : vector<16xi1>, vector<16xf32>
      %jit3A_189 = arith.constant 2 : i32
      %broadcast_in_dim3A_190 = vector.broadcast %jit3A_189 : i32 to vector<16xi32>
      %select_n3A_191 = arith.select %lt3A_187, %broadcast_in_dim3A_190, %select_n3A_182 : vector<16xi1>, vector<16xi32>
      %get3A_192 = arith.constant 3 : i32
      %get3A_193 = arith.index_cast %get3A_192 : i32 to index
      %get3A_194 = arith.index_cast %add3A_77 : i32 to index
      %get3A_195 = tpu.vector_load %arg10[%get3A_193, %get3A_194] {strides = array<i32>} : memref<10x128xf32, #tpu.memory_space<vmem>>, vector<16xf32>,
      %lt3A_196 = arith.cmpf olt, %get3A_195, %select_n3A_188 : vector<16xf32>
      %select_n3A_197 = arith.select %lt3A_196, %get3A_195, %select_n3A_188 : vector<16xi1>, vector<16xf32>
      %jit3A_198 = arith.constant 3 : i32
      %broadcast_in_dim3A_199 = vector.broadcast %jit3A_198 : i32 to vector<16xi32>
      %select_n3A_200 = arith.select %lt3A_196, %broadcast_in_dim3A_199, %select_n3A_191 : vector<16xi1>, vector<16xi32>
      %get3A_201 = arith.constant 4 : i32
      %get3A_202 = arith.index_cast %get3A_201 : i32 to index
      %get3A_203 = arith.index_cast %add3A_77 : i32 to index
      %get3A_204 = tpu.vector_load %arg10[%get3A_202, %get3A_203] {strides = array<i32>} : memref<10x128xf32, #tpu.memory_space<vmem>>, vector<16xf32>,
      %lt3A_205 = arith.cmpf olt, %get3A_204, %select_n3A_197 : vector<16xf32>
      %select_n3A_206 = arith.select %lt3A_205, %get3A_204, %select_n3A_197 : vector<16xi1>, vector<16xf32>
      %jit3A_207 = arith.constant 4 : i32
      %broadcast_in_dim3A_208 = vector.broadcast %jit3A_207 : i32 to vector<16xi32>
      %select_n3A_209 = arith.select %lt3A_205, %broadcast_in_dim3A_208, %select_n3A_200 : vector<16xi1>, vector<16xi32>
      %get3A_210 = arith.constant 5 : i32
      %get3A_211 = arith.index_cast %get3A_210 : i32 to index
      %get3A_212 = arith.index_cast %add3A_77 : i32 to index
      %get3A_213 = tpu.vector_load %arg10[%get3A_211, %get3A_212] {strides = array<i32>} : memref<10x128xf32, #tpu.memory_space<vmem>>, vector<16xf32>,
      %lt3A_214 = arith.cmpf olt, %get3A_213, %select_n3A_206 : vector<16xf32>
      %select_n3A_215 = arith.select %lt3A_214, %get3A_213, %select_n3A_206 : vector<16xi1>, vector<16xf32>
      %jit3A_216 = arith.constant 5 : i32
      %broadcast_in_dim3A_217 = vector.broadcast %jit3A_216 : i32 to vector<16xi32>
      %select_n3A_218 = arith.select %lt3A_214, %broadcast_in_dim3A_217, %select_n3A_209 : vector<16xi1>, vector<16xi32>
      %get3A_219 = arith.constant 6 : i32
      %get3A_220 = arith.index_cast %get3A_219 : i32 to index
      %get3A_221 = arith.index_cast %add3A_77 : i32 to index
      %get3A_222 = tpu.vector_load %arg10[%get3A_220, %get3A_221] {strides = array<i32>} : memref<10x128xf32, #tpu.memory_space<vmem>>, vector<16xf32>,
      %lt3A_223 = arith.cmpf olt, %get3A_222, %select_n3A_215 : vector<16xf32>
      %select_n3A_224 = arith.select %lt3A_223, %get3A_222, %select_n3A_215 : vector<16xi1>, vector<16xf32>
      %jit3A_225 = arith.constant 6 : i32
      %broadcast_in_dim3A_226 = vector.broadcast %jit3A_225 : i32 to vector<16xi32>
      %select_n3A_227 = arith.select %lt3A_223, %broadcast_in_dim3A_226, %select_n3A_218 : vector<16xi1>, vector<16xi32>
      %get3A_228 = arith.constant 7 : i32
      %get3A_229 = arith.index_cast %get3A_228 : i32 to index
      %get3A_230 = arith.index_cast %add3A_77 : i32 to index
      %get3A_231 = tpu.vector_load %arg10[%get3A_229, %get3A_230] {strides = array<i32>} : memref<10x128xf32, #tpu.memory_space<vmem>>, vector<16xf32>,
      %lt3A_232 = arith.cmpf olt, %get3A_231, %select_n3A_224 : vector<16xf32>
      %select_n3A_233 = arith.select %lt3A_232, %get3A_231, %select_n3A_224 : vector<16xi1>, vector<16xf32>
      %jit3A_234 = arith.constant 7 : i32
      %broadcast_in_dim3A_235 = vector.broadcast %jit3A_234 : i32 to vector<16xi32>
      %select_n3A_236 = arith.select %lt3A_232, %broadcast_in_dim3A_235, %select_n3A_227 : vector<16xi1>, vector<16xi32>
      %get3A_237 = arith.constant 8 : i32
      %get3A_238 = arith.index_cast %get3A_237 : i32 to index
      %get3A_239 = arith.index_cast %add3A_77 : i32 to index
      %get3A_240 = tpu.vector_load %arg10[%get3A_238, %get3A_239] {strides = array<i32>} : memref<10x128xf32, #tpu.memory_space<vmem>>, vector<16xf32>,
      %lt3A_241 = arith.cmpf olt, %get3A_240, %select_n3A_233 : vector<16xf32>
      %select_n3A_242 = arith.select %lt3A_241, %get3A_240, %select_n3A_233 : vector<16xi1>, vector<16xf32>
      %jit3A_243 = arith.constant 8 : i32
      %broadcast_in_dim3A_244 = vector.broadcast %jit3A_243 : i32 to vector<16xi32>
      %select_n3A_245 = arith.select %lt3A_241, %broadcast_in_dim3A_244, %select_n3A_236 : vector<16xi1>, vector<16xi32>
      %get3A_246 = arith.constant 9 : i32
      %get3A_247 = arith.index_cast %get3A_246 : i32 to index
      %get3A_248 = arith.index_cast %add3A_77 : i32 to index
      %get3A_249 = tpu.vector_load %arg10[%get3A_247, %get3A_248] {strides = array<i32>} : memref<10x128xf32, #tpu.memory_space<vmem>>, vector<16xf32>,
      %lt3A_250 = arith.cmpf olt, %get3A_249, %select_n3A_242 : vector<16xf32>
      %select_n3A_251 = arith.select %lt3A_250, %get3A_249, %select_n3A_242 : vector<16xi1>, vector<16xf32>
      %jit3A_252 = arith.constant 9 : i32
      %broadcast_in_dim3A_253 = vector.broadcast %jit3A_252 : i32 to vector<16xi32>
      %select_n3A_254 = arith.select %lt3A_250, %broadcast_in_dim3A_253, %select_n3A_245 : vector<16xi1>, vector<16xi32>
      %jit3A_255 = arith.constant 20 : i32
      %div3A_256 = vector.broadcast %jit3A_255 : i32 to vector<16xi32>
      %div3A_257 = arith.divsi %scan3A_166#1, %div3A_256 : vector<16xi32>
      %sign3A_258 = arith.constant 0 : i32
      %sign3A_259 = vector.broadcast %sign3A_258 : i32 to vector<16xi32>
      %sign3A_260 = arith.cmpi sgt, %scan3A_166#1, %sign3A_259 : vector<16xi32>
      %sign3A_261 = arith.extui %sign3A_260 : vector<16xi1> to vector<16xi32>
      %sign3A_262 = arith.constant 0 : i32
      %sign3A_263 = vector.broadcast %sign3A_262 : i32 to vector<16xi32>
      %sign3A_264 = arith.cmpi slt, %scan3A_166#1, %sign3A_263 : vector<16xi32>
      %sign3A_265 = arith.extui %sign3A_264 : vector<16xi1> to vector<16xi32>
      %sign3A_266 = arith.subi %sign3A_261, %sign3A_265 : vector<16xi32>
      %sign3A_267 = arith.constant 0 : i32
      %sign3A_268 = arith.cmpi sgt, %jit3A_255, %sign3A_267 : i32
      %sign3A_269 = arith.extui %sign3A_268 : i1 to i32
      %sign3A_270 = arith.constant 0 : i32
      %sign3A_271 = arith.cmpi slt, %jit3A_255, %sign3A_270 : i32
      %sign3A_272 = arith.extui %sign3A_271 : i1 to i32
      %sign3A_273 = arith.subi %sign3A_269, %sign3A_272 : i32
      %ne3A_274 = vector.broadcast %sign3A_273 : i32 to vector<16xi32>
      %ne3A_275 = arith.cmpi ne, %sign3A_266, %ne3A_274 : vector<16xi32>
      %rem3A_276 = vector.broadcast %jit3A_255 : i32 to vector<16xi32>
      %rem3A_277 = arith.remsi %scan3A_166#1, %rem3A_276 : vector<16xi32>
      %ne3A_278 = arith.constant 0 : i32
      %ne3A_279 = vector.broadcast %ne3A_278 : i32 to vector<16xi32>
      %ne3A_280 = arith.cmpi ne, %rem3A_277, %ne3A_279 : vector<16xi32>
      %and3A_281 = arith.andi %ne3A_275, %ne3A_280 : vector<16xi1>
      %sub3A_282 = arith.constant 1 : i32
      %sub3A_283 = vector.broadcast %sub3A_282 : i32 to vector<16xi32>
      %sub3A_284 = arith.subi %div3A_257, %sub3A_283 : vector<16xi32>
      %select_n3A_285 = arith.select %and3A_281, %sub3A_284, %div3A_257 : vector<16xi1>, vector<16xi32>
      %mul3A_286 = arith.constant 200 : i32
      %mul3A_287 = vector.broadcast %mul3A_286 : i32 to vector<16xi32>
      %mul3A_288 = arith.muli %select_n3A_285, %mul3A_287 : vector<16xi32>
      %add3A_289 = arith.constant 1 : i32
      %add3A_290 = vector.broadcast %add3A_289 : i32 to vector<16xi32>
      %add3A_291 = arith.addi %add3A_290, %mul3A_288 : vector<16xi32>
      %jit3A_292 = arith.constant 20 : i32
      %eq3A_293 = arith.constant 0 : i32
      %eq3A_294 = arith.cmpi eq, %jit3A_292, %eq3A_293 : i32
      %jit3A_295 = arith.constant 1 : i32
      %select_n3A_296 = arith.select %eq3A_294, %jit3A_295, %jit3A_292 : i32
      %rem3A_297 = vector.broadcast %select_n3A_296 : i32 to vector<16xi32>
      %rem3A_298 = arith.remsi %scan3A_166#1, %rem3A_297 : vector<16xi32>
      %ne3A_299 = arith.constant 0 : i32
      %ne3A_300 = vector.broadcast %ne3A_299 : i32 to vector<16xi32>
      %ne3A_301 = arith.cmpi ne, %rem3A_298, %ne3A_300 : vector<16xi32>
      %lt3A_302 = arith.constant 0 : i32
      %lt3A_303 = vector.broadcast %lt3A_302 : i32 to vector<16xi32>
      %lt3A_304 = arith.cmpi slt, %rem3A_298, %lt3A_303 : vector<16xi32>
      %lt3A_305 = arith.constant 0 : i32
      %lt3A_306 = arith.cmpi slt, %select_n3A_296, %lt3A_305 : i32
      %ne3A_307 = vector.broadcast %lt3A_306 : i1 to vector<16xi1>
      %ne3A_308 = vector.broadcast %ne3A_307 : vector<16xi1> to vector<16xi1>
      %ne3A_309 = arith.xori %lt3A_304, %ne3A_308 : vector<16xi1>
      %and3A_310 = arith.andi %ne3A_309, %ne3A_301 : vector<16xi1>
      %add3A_311 = vector.broadcast %select_n3A_296 : i32 to vector<16xi32>
      %add3A_312 = arith.addi %rem3A_298, %add3A_311 : vector<16xi32>
      %select_n3A_313 = arith.select %and3A_310, %add3A_312, %rem3A_298 : vector<16xi1>, vector<16xi32>
      %mul3A_314 = arith.constant 10 : i32
      %mul3A_315 = vector.broadcast %mul3A_314 : i32 to vector<16xi32>
      %mul3A_316 = arith.muli %select_n3A_313, %mul3A_315 : vector<16xi32>
      %add3A_317 = arith.addi %add3A_291, %mul3A_316 : vector<16xi32>
      %add3A_318 = arith.addi %add3A_317, %select_n3A_254 : vector<16xi32>
      %mul3A_319 = arith.constant 16 : i32
      %mul3A_320 = arith.muli %scan3A_73, %mul3A_319 : i32
      %swap3A = arith.index_cast %mul3A_320 : i32 to index
      %swap3A_321 = tpu.vector_load %arg11[%swap3A] {strides = array<i32>} : memref<32xi32, #tpu.memory_space<vmem>>, vector<16xi32>,
      tpu.vector_store %arg11[%swap3A], %add3A_318 {strides = array<i32>} : memref<32xi32, #tpu.memory_space<vmem>>, vector<16xi32>,
      %scan3A_322 = arith.constant 0 : i32
      scf.yield %scan3A_322 : i32
    }
    %scan3A_70 = arith.constant 2 : i32
    %mul3A_71 = arith.constant 32 : i32
    %mul3A_72 = arith.muli %add3A, %mul3A_71 : i32
    "tpu.region"() ({
      %run_scoped3A = tpu.sem_alloc : memref<!tpu.dma_semaphore, #tpu.memory_space<semaphore_mem>>
      %dma_start3A_73 = tpu.memref_slice %arg6[%mul3A_72] : memref<1024xi32, #tpu.memory_space<hbm>> -> memref<32xi32, #tpu.memory_space<hbm>>
      %dma_start3A_74 = tpu.memref_slice %arg6[%mul3A_72] : memref<1024xi32, #tpu.memory_space<hbm>> -> memref<32xi32, #tpu.memory_space<hbm>>
      tpu.enqueue_dma source(%arg11 : memref<32xi32, #tpu.memory_space<vmem>>) target(%dma_start3A_74 : memref<32xi32, #tpu.memory_space<hbm>>) target_semaphore(%run_scoped3A : memref<!tpu.dma_semaphore, #tpu.memory_space<semaphore_mem>>)
      %dma_wait3A_75 = tpu.memref_slice %arg6[%mul3A_72] : memref<1024xi32, #tpu.memory_space<hbm>> -> memref<32xi32, #tpu.memory_space<hbm>>
      %dma_wait3A_76 = tpu.memref_slice %arg6[%mul3A_72] : memref<1024xi32, #tpu.memory_space<hbm>> -> memref<32xi32, #tpu.memory_space<hbm>>
      tpu.wait_dma2 semaphore(%run_scoped3A : memref<!tpu.dma_semaphore, #tpu.memory_space<semaphore_mem>>) src(%arg11 : memref<32xi32, #tpu.memory_space<vmem>>) dst(%dma_wait3A_76 : memref<32xi32, #tpu.memory_space<hbm>>)
      tpu.yield
    }) : () -> ()
    return
  }
}

module attributes {stable_mosaic.version = 14 : i64} {
  func.func @_bp_body(%arg0: i32, %arg1: memref<20x500x256xi32, #tpu.memory_space<vmem>>, %arg2: memref<512x256xi32, #tpu.memory_space<vmem>>) attributes {dimension_semantics = [#tpu.dimension_semantics<arbitrary>], iteration_bounds = array<i64: 4>, scalar_prefetch = 0 : i64, scratch_operands = 0 : i64, tpu.core_type = #tpu.core_type<tc>, window_params = [{transform_indices = @transform_0, window_bounds = array<i64: 20, 500, 256>}, {transform_indices = @transform_1, window_bounds = array<i64: 512, 256>}]} {
    %get3A = arith.constant 0 : index
    %get3A_0 = arith.constant 0 : index
    %get3A_1 = arith.constant 0 : index
    %get3A_2 = vector.load %arg1[%get3A, %get3A_0, %get3A_1] : memref<20x500x256xi32, #tpu.memory_space<vmem>>, vector<20x500x256xi32>
    %slice3A = vector.extract_strided_slice %get3A_2 {offsets = [0, 0, 0], sizes = [1, 500, 256], strides = [1, 1, 1]} : vector<20x500x256xi32> to vector<1x500x256xi32>
    %squeeze3A = vector.shape_cast %slice3A : vector<1x500x256xi32> to vector<500x256xi32>
    %slice3A_3 = vector.extract_strided_slice %get3A_2 {offsets = [1, 0, 0], sizes = [1, 500, 256], strides = [1, 1, 1]} : vector<20x500x256xi32> to vector<1x500x256xi32>
    %squeeze3A_4 = vector.shape_cast %slice3A_3 : vector<1x500x256xi32> to vector<500x256xi32>
    %shift_left3A = arith.constant 1 : i32
    %shift_left3A_5 = vector.broadcast %shift_left3A : i32 to vector<500x256xi32>
    %shift_left3A_6 = arith.shli %squeeze3A_4, %shift_left3A_5 : vector<500x256xi32>
    %or3A = arith.ori %squeeze3A, %shift_left3A_6 : vector<500x256xi32>
    %slice3A_7 = vector.extract_strided_slice %get3A_2 {offsets = [2, 0, 0], sizes = [1, 500, 256], strides = [1, 1, 1]} : vector<20x500x256xi32> to vector<1x500x256xi32>
    %squeeze3A_8 = vector.shape_cast %slice3A_7 : vector<1x500x256xi32> to vector<500x256xi32>
    %shift_left3A_9 = arith.constant 2 : i32
    %shift_left3A_10 = vector.broadcast %shift_left3A_9 : i32 to vector<500x256xi32>
    %shift_left3A_11 = arith.shli %squeeze3A_8, %shift_left3A_10 : vector<500x256xi32>
    %or3A_12 = arith.ori %or3A, %shift_left3A_11 : vector<500x256xi32>
    %slice3A_13 = vector.extract_strided_slice %get3A_2 {offsets = [3, 0, 0], sizes = [1, 500, 256], strides = [1, 1, 1]} : vector<20x500x256xi32> to vector<1x500x256xi32>
    %squeeze3A_14 = vector.shape_cast %slice3A_13 : vector<1x500x256xi32> to vector<500x256xi32>
    %shift_left3A_15 = arith.constant 3 : i32
    %shift_left3A_16 = vector.broadcast %shift_left3A_15 : i32 to vector<500x256xi32>
    %shift_left3A_17 = arith.shli %squeeze3A_14, %shift_left3A_16 : vector<500x256xi32>
    %or3A_18 = arith.ori %or3A_12, %shift_left3A_17 : vector<500x256xi32>
    %slice3A_19 = vector.extract_strided_slice %get3A_2 {offsets = [4, 0, 0], sizes = [1, 500, 256], strides = [1, 1, 1]} : vector<20x500x256xi32> to vector<1x500x256xi32>
    %squeeze3A_20 = vector.shape_cast %slice3A_19 : vector<1x500x256xi32> to vector<500x256xi32>
    %shift_left3A_21 = arith.constant 4 : i32
    %shift_left3A_22 = vector.broadcast %shift_left3A_21 : i32 to vector<500x256xi32>
    %shift_left3A_23 = arith.shli %squeeze3A_20, %shift_left3A_22 : vector<500x256xi32>
    %or3A_24 = arith.ori %or3A_18, %shift_left3A_23 : vector<500x256xi32>
    %slice3A_25 = vector.extract_strided_slice %get3A_2 {offsets = [5, 0, 0], sizes = [1, 500, 256], strides = [1, 1, 1]} : vector<20x500x256xi32> to vector<1x500x256xi32>
    %squeeze3A_26 = vector.shape_cast %slice3A_25 : vector<1x500x256xi32> to vector<500x256xi32>
    %shift_left3A_27 = arith.constant 5 : i32
    %shift_left3A_28 = vector.broadcast %shift_left3A_27 : i32 to vector<500x256xi32>
    %shift_left3A_29 = arith.shli %squeeze3A_26, %shift_left3A_28 : vector<500x256xi32>
    %or3A_30 = arith.ori %or3A_24, %shift_left3A_29 : vector<500x256xi32>
    %slice3A_31 = vector.extract_strided_slice %get3A_2 {offsets = [6, 0, 0], sizes = [1, 500, 256], strides = [1, 1, 1]} : vector<20x500x256xi32> to vector<1x500x256xi32>
    %squeeze3A_32 = vector.shape_cast %slice3A_31 : vector<1x500x256xi32> to vector<500x256xi32>
    %shift_left3A_33 = arith.constant 6 : i32
    %shift_left3A_34 = vector.broadcast %shift_left3A_33 : i32 to vector<500x256xi32>
    %shift_left3A_35 = arith.shli %squeeze3A_32, %shift_left3A_34 : vector<500x256xi32>
    %or3A_36 = arith.ori %or3A_30, %shift_left3A_35 : vector<500x256xi32>
    %slice3A_37 = vector.extract_strided_slice %get3A_2 {offsets = [7, 0, 0], sizes = [1, 500, 256], strides = [1, 1, 1]} : vector<20x500x256xi32> to vector<1x500x256xi32>
    %squeeze3A_38 = vector.shape_cast %slice3A_37 : vector<1x500x256xi32> to vector<500x256xi32>
    %shift_left3A_39 = arith.constant 7 : i32
    %shift_left3A_40 = vector.broadcast %shift_left3A_39 : i32 to vector<500x256xi32>
    %shift_left3A_41 = arith.shli %squeeze3A_38, %shift_left3A_40 : vector<500x256xi32>
    %or3A_42 = arith.ori %or3A_36, %shift_left3A_41 : vector<500x256xi32>
    %slice3A_43 = vector.extract_strided_slice %get3A_2 {offsets = [8, 0, 0], sizes = [1, 500, 256], strides = [1, 1, 1]} : vector<20x500x256xi32> to vector<1x500x256xi32>
    %squeeze3A_44 = vector.shape_cast %slice3A_43 : vector<1x500x256xi32> to vector<500x256xi32>
    %shift_left3A_45 = arith.constant 8 : i32
    %shift_left3A_46 = vector.broadcast %shift_left3A_45 : i32 to vector<500x256xi32>
    %shift_left3A_47 = arith.shli %squeeze3A_44, %shift_left3A_46 : vector<500x256xi32>
    %or3A_48 = arith.ori %or3A_42, %shift_left3A_47 : vector<500x256xi32>
    %slice3A_49 = vector.extract_strided_slice %get3A_2 {offsets = [9, 0, 0], sizes = [1, 500, 256], strides = [1, 1, 1]} : vector<20x500x256xi32> to vector<1x500x256xi32>
    %squeeze3A_50 = vector.shape_cast %slice3A_49 : vector<1x500x256xi32> to vector<500x256xi32>
    %shift_left3A_51 = arith.constant 9 : i32
    %shift_left3A_52 = vector.broadcast %shift_left3A_51 : i32 to vector<500x256xi32>
    %shift_left3A_53 = arith.shli %squeeze3A_50, %shift_left3A_52 : vector<500x256xi32>
    %or3A_54 = arith.ori %or3A_48, %shift_left3A_53 : vector<500x256xi32>
    %slice3A_55 = vector.extract_strided_slice %get3A_2 {offsets = [10, 0, 0], sizes = [1, 500, 256], strides = [1, 1, 1]} : vector<20x500x256xi32> to vector<1x500x256xi32>
    %squeeze3A_56 = vector.shape_cast %slice3A_55 : vector<1x500x256xi32> to vector<500x256xi32>
    %shift_left3A_57 = arith.constant 10 : i32
    %shift_left3A_58 = vector.broadcast %shift_left3A_57 : i32 to vector<500x256xi32>
    %shift_left3A_59 = arith.shli %squeeze3A_56, %shift_left3A_58 : vector<500x256xi32>
    %or3A_60 = arith.ori %or3A_54, %shift_left3A_59 : vector<500x256xi32>
    %slice3A_61 = vector.extract_strided_slice %get3A_2 {offsets = [11, 0, 0], sizes = [1, 500, 256], strides = [1, 1, 1]} : vector<20x500x256xi32> to vector<1x500x256xi32>
    %squeeze3A_62 = vector.shape_cast %slice3A_61 : vector<1x500x256xi32> to vector<500x256xi32>
    %shift_left3A_63 = arith.constant 11 : i32
    %shift_left3A_64 = vector.broadcast %shift_left3A_63 : i32 to vector<500x256xi32>
    %shift_left3A_65 = arith.shli %squeeze3A_62, %shift_left3A_64 : vector<500x256xi32>
    %or3A_66 = arith.ori %or3A_60, %shift_left3A_65 : vector<500x256xi32>
    %slice3A_67 = vector.extract_strided_slice %get3A_2 {offsets = [12, 0, 0], sizes = [1, 500, 256], strides = [1, 1, 1]} : vector<20x500x256xi32> to vector<1x500x256xi32>
    %squeeze3A_68 = vector.shape_cast %slice3A_67 : vector<1x500x256xi32> to vector<500x256xi32>
    %shift_left3A_69 = arith.constant 12 : i32
    %shift_left3A_70 = vector.broadcast %shift_left3A_69 : i32 to vector<500x256xi32>
    %shift_left3A_71 = arith.shli %squeeze3A_68, %shift_left3A_70 : vector<500x256xi32>
    %or3A_72 = arith.ori %or3A_66, %shift_left3A_71 : vector<500x256xi32>
    %slice3A_73 = vector.extract_strided_slice %get3A_2 {offsets = [13, 0, 0], sizes = [1, 500, 256], strides = [1, 1, 1]} : vector<20x500x256xi32> to vector<1x500x256xi32>
    %squeeze3A_74 = vector.shape_cast %slice3A_73 : vector<1x500x256xi32> to vector<500x256xi32>
    %shift_left3A_75 = arith.constant 13 : i32
    %shift_left3A_76 = vector.broadcast %shift_left3A_75 : i32 to vector<500x256xi32>
    %shift_left3A_77 = arith.shli %squeeze3A_74, %shift_left3A_76 : vector<500x256xi32>
    %or3A_78 = arith.ori %or3A_72, %shift_left3A_77 : vector<500x256xi32>
    %slice3A_79 = vector.extract_strided_slice %get3A_2 {offsets = [14, 0, 0], sizes = [1, 500, 256], strides = [1, 1, 1]} : vector<20x500x256xi32> to vector<1x500x256xi32>
    %squeeze3A_80 = vector.shape_cast %slice3A_79 : vector<1x500x256xi32> to vector<500x256xi32>
    %shift_left3A_81 = arith.constant 14 : i32
    %shift_left3A_82 = vector.broadcast %shift_left3A_81 : i32 to vector<500x256xi32>
    %shift_left3A_83 = arith.shli %squeeze3A_80, %shift_left3A_82 : vector<500x256xi32>
    %or3A_84 = arith.ori %or3A_78, %shift_left3A_83 : vector<500x256xi32>
    %slice3A_85 = vector.extract_strided_slice %get3A_2 {offsets = [15, 0, 0], sizes = [1, 500, 256], strides = [1, 1, 1]} : vector<20x500x256xi32> to vector<1x500x256xi32>
    %squeeze3A_86 = vector.shape_cast %slice3A_85 : vector<1x500x256xi32> to vector<500x256xi32>
    %shift_left3A_87 = arith.constant 15 : i32
    %shift_left3A_88 = vector.broadcast %shift_left3A_87 : i32 to vector<500x256xi32>
    %shift_left3A_89 = arith.shli %squeeze3A_86, %shift_left3A_88 : vector<500x256xi32>
    %or3A_90 = arith.ori %or3A_84, %shift_left3A_89 : vector<500x256xi32>
    %slice3A_91 = vector.extract_strided_slice %get3A_2 {offsets = [16, 0, 0], sizes = [1, 500, 256], strides = [1, 1, 1]} : vector<20x500x256xi32> to vector<1x500x256xi32>
    %squeeze3A_92 = vector.shape_cast %slice3A_91 : vector<1x500x256xi32> to vector<500x256xi32>
    %shift_left3A_93 = arith.constant 16 : i32
    %shift_left3A_94 = vector.broadcast %shift_left3A_93 : i32 to vector<500x256xi32>
    %shift_left3A_95 = arith.shli %squeeze3A_92, %shift_left3A_94 : vector<500x256xi32>
    %or3A_96 = arith.ori %or3A_90, %shift_left3A_95 : vector<500x256xi32>
    %slice3A_97 = vector.extract_strided_slice %get3A_2 {offsets = [17, 0, 0], sizes = [1, 500, 256], strides = [1, 1, 1]} : vector<20x500x256xi32> to vector<1x500x256xi32>
    %squeeze3A_98 = vector.shape_cast %slice3A_97 : vector<1x500x256xi32> to vector<500x256xi32>
    %shift_left3A_99 = arith.constant 17 : i32
    %shift_left3A_100 = vector.broadcast %shift_left3A_99 : i32 to vector<500x256xi32>
    %shift_left3A_101 = arith.shli %squeeze3A_98, %shift_left3A_100 : vector<500x256xi32>
    %or3A_102 = arith.ori %or3A_96, %shift_left3A_101 : vector<500x256xi32>
    %slice3A_103 = vector.extract_strided_slice %get3A_2 {offsets = [18, 0, 0], sizes = [1, 500, 256], strides = [1, 1, 1]} : vector<20x500x256xi32> to vector<1x500x256xi32>
    %squeeze3A_104 = vector.shape_cast %slice3A_103 : vector<1x500x256xi32> to vector<500x256xi32>
    %shift_left3A_105 = arith.constant 18 : i32
    %shift_left3A_106 = vector.broadcast %shift_left3A_105 : i32 to vector<500x256xi32>
    %shift_left3A_107 = arith.shli %squeeze3A_104, %shift_left3A_106 : vector<500x256xi32>
    %or3A_108 = arith.ori %or3A_102, %shift_left3A_107 : vector<500x256xi32>
    %slice3A_109 = vector.extract_strided_slice %get3A_2 {offsets = [19, 0, 0], sizes = [1, 500, 256], strides = [1, 1, 1]} : vector<20x500x256xi32> to vector<1x500x256xi32>
    %squeeze3A_110 = vector.shape_cast %slice3A_109 : vector<1x500x256xi32> to vector<500x256xi32>
    %shift_left3A_111 = arith.constant 19 : i32
    %shift_left3A_112 = vector.broadcast %shift_left3A_111 : i32 to vector<500x256xi32>
    %shift_left3A_113 = arith.shli %squeeze3A_110, %shift_left3A_112 : vector<500x256xi32>
    %or3A_114 = arith.ori %or3A_108, %shift_left3A_113 : vector<500x256xi32>
    %jit3A = arith.constant 0 : i32
    %pad3A = vector.broadcast %jit3A : i32 to vector<12x256xi32>
    %pad3A_115 = tpu.concatenate %or3A_114, %pad3A in 0 : vector<500x256xi32>, vector<12x256xi32> -> vector<512x256xi32>
    %swap3A = arith.constant 0 : index
    %swap3A_116 = arith.constant 0 : index
    %swap3A_117 = vector.load %arg2[%swap3A, %swap3A_116] : memref<512x256xi32, #tpu.memory_space<vmem>>, vector<512x256xi32>
    tpu.vector_store %arg2[%swap3A, %swap3A_116], %pad3A_115 {strides = array<i32>} : memref<512x256xi32, #tpu.memory_space<vmem>>, vector<512x256xi32>,
    return
  }
  func.func @transform_0(%arg0: i32) -> (i32, i32, i32) {
    %c0_i32 = arith.constant 0 : i32
    %c0_i32_0 = arith.constant 0 : i32
    %c0_i32_1 = arith.constant 0 : i32
    return %c0_i32, %c0_i32_0, %arg0 : i32, i32, i32
  }
  func.func @transform_1(%arg0: i32) -> (i32, i32) {
    %c0_i32 = arith.constant 0 : i32
    %c0_i32_0 = arith.constant 0 : i32
    return %c0_i32, %arg0 : i32, i32
  }
}

module attributes {stable_mosaic.version = 14 : i64} {
  func.func @_oh_body(%arg0: i32, %arg1: memref<8x1024xi32, #tpu.memory_space<vmem>>, %arg2: memref<1024x1024xf32, #tpu.memory_space<vmem>>) attributes {dimension_semantics = [#tpu.dimension_semantics<arbitrary>], iteration_bounds = array<i64: 20>, scalar_prefetch = 0 : i64, scratch_operands = 0 : i64, tpu.core_type = #tpu.core_type<tc>, window_params = [{pipeline_mode = #tpu.pipeline_mode<synchronous>, transform_indices = @transform_0, window_bounds = array<i64: 8, 1024>}, {transform_indices = @transform_1, window_bounds = array<i64: 1024, 1024>}]} {
    %iota3A = tpu.iota {dimensions = array<i32: 0>} : vector<1024x1024xi32>
    %mul3A = arith.constant 1024 : i32
    %mul3A_0 = arith.muli %arg0, %mul3A : i32
    %add3A = vector.broadcast %mul3A_0 : i32 to vector<1024x1024xi32>
    %add3A_1 = arith.addi %iota3A, %add3A : vector<1024x1024xi32>
    %get3A = arith.constant 0 : index
    %get3A_2 = arith.constant 0 : index
    %get3A_3 = vector.load %arg1[%get3A, %get3A_2] : memref<8x1024xi32, #tpu.memory_space<vmem>>, vector<1x1024xi32>
    %eq3A = vector.broadcast %get3A_3 : vector<1x1024xi32> to vector<1024x1024xi32>
    %eq3A_4 = arith.cmpi eq, %add3A_1, %eq3A : vector<1024x1024xi32>
    %jit3A = arith.constant 1.000000e+00 : f32
    %jit3A_5 = arith.constant 0.000000e+00 : f32
    %broadcast_in_dim3A = vector.broadcast %jit3A : f32 to vector<1024x1024xf32>
    %broadcast_in_dim3A_6 = vector.broadcast %jit3A_5 : f32 to vector<1024x1024xf32>
    %select_n3A = arith.select %eq3A_4, %broadcast_in_dim3A, %broadcast_in_dim3A_6 : vector<1024x1024xi1>, vector<1024x1024xf32>
    %swap3A = arith.constant 0 : index
    %swap3A_7 = arith.constant 0 : index
    %swap3A_8 = vector.load %arg2[%swap3A, %swap3A_7] : memref<1024x1024xf32, #tpu.memory_space<vmem>>, vector<1024x1024xf32>
    tpu.vector_store %arg2[%swap3A, %swap3A_7], %select_n3A {strides = array<i32>} : memref<1024x1024xf32, #tpu.memory_space<vmem>>, vector<1024x1024xf32>,
    return
  }
  func.func @transform_0(%arg0: i32) -> (i32, i32) {
    %c0_i32 = arith.constant 0 : i32
    %c0_i32_0 = arith.constant 0 : i32
    %c0_i32_1 = arith.constant 0 : i32
    return %c0_i32, %c0_i32_0 : i32, i32
  }
  func.func @transform_1(%arg0: i32) -> (i32, i32) {
    %c0_i32 = arith.constant 0 : i32
    %c0_i32_0 = arith.constant 0 : i32
    return %arg0, %c0_i32 : i32, i32
  }
}

</mosaic_0001>

<sc_bundles>
// kernel: kernel.5.cloned.1.call-start
scs
__scs_entry_jumppad:
0x0: {  	(pc) =	sbr.rel $0x88, $3  }
0x1: {  	(tag) =	ssettag $0x0;
	lr =	simm.s32 $0x1  }
0x2: {  	[smem:$0x3F9C] =	sst lr;
	_ =	strace $0xD0000000  }
0x3: {  	_ = 	snop  }
0x4: {  	_ = 	snop  }
0x5: {  	_ = 	snop  }
0x6: {  	_ = 	snop  }
0x7: {  	_ = 	snop  }
__scs_overlays_trampoline_lowered:
0x8: {  	[smem:$0x3FAB] =	sst s0  }
0x9: {  	[smem:$0x3FAC] =	sst s1  }
0xa: {  	[smem:$0x3FAD] =	sst s2  }
0xb: {  	[smem:$0x3FAE] =	sst s3  }
0xc: {  	[smem:$0x3FAF] =	sst s4  }
0xd: {  	[smem:$0x3FB0] =	sst s5  }
0xe: {  	[smem:$0x3FB1] =	sst s6  }
0xf: {  	[smem:$0x3FB2] =	sst s7  }
0x10: {  	[smem:$0x3FB3] =	sst s8  }
0x11: {  	[smem:$0x3FB4] =	sst s9;
	s0 =	simm.s32 @!p0 $0x0  }
0x12: {  	s1 =	sld [smem:$0x3F9A];
	s0 =	simm.s32 @p0 $0x1  }
0x13: {  	[smem:$0x3FB5] =	sst s0;
	s0 =	simm.s32 @!p1 $0x0  }
0x14: {  	s2 =	sld [smem:$0x3F99];
	s0 =	simm.s32 @p1 $0x1  }
0x15: {  	[smem:$0x3FB6] =	sst s0;
	s0 =	simm.s32 @!p2 $0x0  }
0x16: {  	s3 =	sld [smem:$0x3FDB];
	s0 =	simm.s32 @p2 $0x1  }
0x17: {  	s4 =	simm.s32 $0x1BF5;
	[smem:$0x3FB8] =	sst s0  }
0x18: {  	s0 =	sld [smem:$0x3F9B];
	_ =	swait.ge [sflag:s4], $0x0  }
0x19: {  	s7 =	sld [smem:$0x3F9C]  }
0x1a: {  	s8 =	sadd.s32 $0xFFFFE003, lr  }
0x1b: {  	s9 =	sadd.s32 $0xFFFFFEF7, lr;
	s5 =	simm.s32 $0xFFFFFFFF;
	p2 =	slt.u32 s8, $0xFFFFF086  }
0x1c: {  	p1 =	slt.u32 s9, $0xF7A;
	s5 =	simm.s32 @!p2 $0x0  }
0x1d: {  	s5 =	simm.s32 @p1 $0x1;
	p0 =	seq.s32 s7, s2  }
0x1e: {  	s7 =	smul.u32 @!p0 $0xF7A, s2;
	p2 =	seq.s32 @!p0 s5, $0x0  }
0x1f: {  	s9 =	smul.u32 $0xF7A, s1;
	s8 =	simm.s32 @!p0 $0x1BF5;
	p2 =	por !p2, p0  }
0x20: {  	[sflag:s8] =	ssyncset.s32 @!p0 $0xFFFFF086;
	s6 =	sadd.s32 @!p0 s3, s7;
	s7 =	simm.s32 @!p0 $0x108  }
0x21: {  	s3 =	sadd.s32 s3, s9;
	s6 =	sadd.s32 @!p0 $0x88, s6;
	s7 =	simm.s32 @p2 $0x1082  }
0x22: {  	[simem:s7], [sflag:s8] =	dma.local @!p0 [hbm:s6], $0xF7A  }
0x23: {  	s9 =	sor.u32 $0xD0000000, s2;
	s6 =	simm.s32 $0x108;
	_ =	swait.ge @!p0 [sflag:s8], $0x0  }
0x24: {  	s3 =	sadd.s32 $0x88, s3;
	s6 =	simm.s32 @!p1 $0x1082;
	[sflag:s4] =	ssyncset.s32 $0xFFFFF086  }
0x25: {  	[simem:s6], [sflag:s4] =	dma.local [hbm:s3], $0xF7A  }
0x26: {  	[smem:$0x3F9C] =	sst s1;
	(tag) =	ssettag s2;
	_ =	strace s9  }
0x27: {  	s1 =	sld [smem:$0x3FAC]  }
0x28: {  	s2 =	sld [smem:$0x3FAD]  }
0x29: {  	s4 =	sld [smem:$0x3FAF]  }
0x2a: {  	p0 =	seq.s32 s5, $0x0;
	s5 =	sld [smem:$0x3FB0]  }
0x2b: {  	s6 =	sld [smem:$0x3FB1]  }
0x2c: {  	s7 =	sld [smem:$0x3FB2]  }
0x2d: {  	s3 =	simm.s32 $0x108;
	s8 =	sld [smem:$0x3FB3]  }
0x2e: {  	s3 =	simm.s32 @!p0 $0x1082;
	s9 =	sld [smem:$0x3FB4]  }
0x2f: {  	lr =	sadd.s32 s0, s3;
	s0 =	sld [smem:$0x3FAB]  }
0x30: {  	s3 =	sld [smem:$0x3FAE]  }
0x31: {  	[smem:$0x3FB7] =	sst s10  }
0x32: {  	s10 =	sld [smem:$0x3FB5];
	_ =	sdelay $0x3  }
0x33: {  	p0 =	seq.s32 s10, $0x1;
	s10 =	sld [smem:$0x3FB7];
	_ =	sdelay $0x3  }
0x34: {  	[smem:$0x3FB7] =	sst s10  }
0x35: {  	s10 =	sld [smem:$0x3FB6];
	_ =	sdelay $0x3  }
0x36: {  	p1 =	seq.s32 s10, $0x1;
	s10 =	sld [smem:$0x3FB7];
	_ =	sdelay $0x3  }
0x37: {  	[smem:$0x3FB7] =	sst s10  }
0x38: {  	s10 =	sld [smem:$0x3FB8]  }
0x39: {  	_ = 	snop;
	(pc) =	sbr.ind lr, $3  }
0x3a: {  	_ = 	snop  }
0x3b: {  	_ = 	snop  }
0x3c: {  	p2 =	seq.s32 s10, $0x1;
	s10 =	sld [smem:$0x3FB7]  }
0x3d: {  	_ =	shalt  }
0x3e: {  	_ =	shalt  }
0x3f: {  	_ =	shalt  }
0x40: {  	_ =	shalt  }
0x41: {  	_ =	shalt  }
0x42: {  	_ =	shalt  }
0x43: {  	_ =	shalt  }
0x44: {  	_ =	shalt  }
0x45: {  	_ =	shalt  }
0x46: {  	_ =	shalt  }
0x47: {  	_ =	shalt  }
0x48: {  	_ =	shalt  }
0x49: {  	_ =	shalt  }
0x4a: {  	_ =	shalt  }
0x4b: {  	_ =	shalt  }
0x4c: {  	_ =	shalt  }
0x4d: {  	_ =	shalt  }
0x4e: {  	_ =	shalt  }
0x4f: {  	_ =	shalt  }
0x50: {  	_ =	shalt  }
0x51: {  	_ =	shalt  }
0x52: {  	_ =	shalt  }
0x53: {  	_ =	shalt  }
0x54: {  	_ =	shalt  }
0x55: {  	_ =	shalt  }
0x56: {  	_ =	shalt  }
0x57: {  	_ =	shalt  }
0x58: {  	_ =	shalt  }
0x59: {  	_ =	shalt  }
0x5a: {  	_ =	shalt  }
0x5b: {  	_ =	shalt  }
0x5c: {  	_ =	shalt  }
0x5d: {  	_ =	shalt  }
0x5e: {  	_ =	shalt  }
0x5f: {  	_ =	shalt  }
0x60: {  	_ =	shalt  }
0x61: {  	_ =	shalt  }
0x62: {  	_ =	shalt  }
0x63: {  	_ =	shalt  }
0x64: {  	_ =	shalt  }
0x65: {  	_ =	shalt  }
0x66: {  	_ =	shalt  }
0x67: {  	_ =	shalt  }
0x68: {  	_ =	shalt  }
0x69: {  	_ =	shalt  }
0x6a: {  	_ =	shalt  }
0x6b: {  	_ =	shalt  }
0x6c: {  	_ =	shalt  }
0x6d: {  	_ =	shalt  }
0x6e: {  	_ =	shalt  }
0x6f: {  	_ =	shalt  }
0x70: {  	_ =	shalt  }
0x71: {  	_ =	shalt  }
0x72: {  	_ =	shalt  }
0x73: {  	_ =	shalt  }
0x74: {  	_ =	shalt  }
0x75: {  	_ =	shalt  }
0x76: {  	_ =	shalt  }
0x77: {  	_ =	shalt  }
0x78: {  	_ =	shalt  }
0x79: {  	_ =	shalt  }
0x7a: {  	_ =	shalt  }
0x7b: {  	_ =	shalt  }
0x7c: {  	_ =	shalt  }
0x7d: {  	_ =	shalt  }
0x7e: {  	_ =	shalt  }
0x7f: {  	_ =	shalt  }
0x80: {  	_ =	shalt  }
0x81: {  	_ =	shalt  }
0x82: {  	_ =	shalt  }
0x83: {  	_ =	shalt  }
0x84: {  	_ =	shalt  }
0x85: {  	_ =	shalt  }
0x86: {  	_ =	shalt  }
0x87: {  	_ =	shalt  }
.Lfunc_end0:
.L_simem_size_0:
called_computation_lowered:
.L_overlay_start_0:
0x88: {  	s2 =	sld [smem:$0x3FD9]  }
0x89: {  	s3 =	sld [smem:$0x3FFE];
	_ =	sdelay $0x1  }
0x8a: {  	s1 =	srdreg.scid  }
0x8b: {  	s0 =	sand.u32 $0x1, s1  }
0x8c: {  	s15 =	sshll.u32 s0, $0xA;
	s2 =	sadd.s32 s3, s2  }
0x8d: {  	s2 =	sadd.s32 s2, s15  }
0x8e: {  	[smem:$0x3FC3] =	sst s2  }
0x8f: {  	_ = 	snop  }
0x90: {  	s2 =	sld [smem:$0x3FD0]  }
0x91: {  	s16 =	sld [smem:$0x3FC9]  }
0x92: {  	s4 =	sld [smem:$0x3FC7]  }
0x93: {  	s6 =	simm.s32 $0xA;
	s7 =	simm.s32 $0x10;
	s5 =	sld [smem:$0x3FC6]  }
0x94: {  	[smem:s7], [sflag:s6] =	dma.local [hbm:s2], $0x1  }
0x95: {  	_ =	swait.eq [sflag:s6], $0x1  }
0x96: {  	[sflag:s6] =	ssyncset.done $0x0  }
0x97: {  	s17 =	sld [smem:$0x10];
	[sflag:s6] =	ssyncadd.s32 $0xFFFFFFFF  }
0x98: {  	s18 =	sld [smem:$0x11];
	(tm) =	ssettm $0x1  }
0x99: {  	s19 =	sld [smem:$0x3FFB];
	_ =	sdelay $0x3  }
0x9a: {  	_ =	strace s19  }
0x9b: {  	s7 =	sld [smem:$0x3FFC];
	_ =	sdelay $0x3  }
0x9c: {  	_ =	strace s7  }
0x9d: {  	s7 =	sld [smem:$0x3FFD];
	_ =	sdelay $0x3  }
0x9e: {  	_ =	strace s7  }
0x9f: {  	_ =	strace $0x8FFFFFFF  }
0xa0: {  	s20 =	sld [smem:$0x3FDB];
	_ =	sdelay $0x1  }
0xa1: {  	s8 =	simm.s32 $_scs_section_size  }
0xa2: {  	s9 =	simm.s32 $_size__tile_overlayer_lowered;
	s10 =	simm.s32 $_tile_overlayer_lowered  }
0xa3: {  	s23 =	simm.s32 $0x1BFF;
	s22 =	sshll.u32 s10, $0x1;
	s7 =	sadd.s32 s8, s20  }
0xa4: {  	s11 =	simm.s32 $0x0;
	s21 =	sshll.u32 s9, $0x1;
	s9 =	sadd.s32 s22, s7  }
0xa5: {  	[timem:s11], [sflag:s23] =	dma.local [hbm:s9], s21  }
0xa6: {  	_ =	swait.ge [sflag:s23], s21  }
0xa7: {  	s8 =	ssub.s32 $0x0, s21;
	[sflag:s23] =	ssyncset.done $0x0  }
0xa8: {  	[sflag:s23] =	ssyncadd.s32 s8;
	_ =	sdelay $0x1  }
0xa9: {  	s24 =	simm.s32 $0x1B8B  }
0xaa: {  	_ =	swait.ge [sflag:s24], $0x1  }
0xab: {  	[sflag:s24] =	ssyncset.done $0x0  }
0xac: {  	s25 =	simm.s32 $0x1B8E;
	[sflag:s24] =	ssyncadd.s32 $0xFFFFFFFF  }
0xad: {  	s26 =	simm.s32 $execute0_lowered;
	[smem:$0x3FD2] =	sst s25  }
0xae: {  	s8 =	sshll.u32 s26, $0x1;
	_ =	strace $0x80000046;
	[dreg:$0x1] =	wrdreg $0xFFFFFFFF  }
0xaf: {  	s28 =	simm.s32 $_size_execute0_lowered;
	s7 =	sadd.s32 s7, s8;
	[dreg:$0x0] =	wrdreg $0x0  }
0xb0: {  	s8 =	sshll.u32 s28, $0x1;
	[dreg:$0x2] =	wrdreg s7  }
0xb1: {  	[dreg:$0x3] =	wrdreg s8  }
0xb2: {  	[dreg:$0x4] =	wrdreg $0xC0  }
0xb3: {  	_ =	task [dreg:s11], $0x5FFFF  }
0xb4: {  	[dreg:$0x1] =	wrdreg $0xFFFFFFFF  }
0xb5: {  	[dreg:$0x0] =	wrdreg $0x60  }
0xb6: {  	[dreg:$0x2] =	wrdreg s18  }
0xb7: {  	[dreg:$0x3] =	wrdreg s4  }
0xb8: {  	[dreg:$0x4] =	wrdreg s16  }
0xb9: {  	[dreg:$0x5] =	wrdreg s5  }
0xba: {  	[dreg:$0x6] =	wrdreg s17  }
0xbb: {  	[dreg:$0x7] =	wrdreg $0x9  }
0xbc: {  	_ =	task.clear_ibuf [dreg:s11], $0x8FFFF;
	_ =	strace $0x90000046  }
0xbd: {  	s29 =	simm.s32 $0x9;
	_ =	strace $0x80000048  }
0xbe: {  	_ =	swait.ge [sflag:s29], $0x1  }
0xbf: {  	[sflag:s29] =	ssyncadd.s32 $0xFFFFFFFF  }
0xc0: {  	_ =	strace $0x90000048  }
0xc1: {  	_ =	sfence  }
0xc2: {  	s30 =	sld [smem:$0x0];
	_ =	sdelay $0x2  }
0xc3: {  	s31 =	sshll.u32 s1, $0xD;
	s1 =	sshrl.u32 s1, $0x2  }
0xc4: {  	s3 =	sand.u32 $0x4000, s31;
	s1 =	sadd.s32 s1, s30  }
0xc5: {  	s0 =	sor.u32 s3, s0;
	s1 =	sshll.u32 s1, $0x11  }
0xc6: {  	s0 =	sor.u32 s1, s0  }
0xc7: {  	s0 =	sadd.s32 $0x8F2B, s0  }
0xc8: {  	[sflag:s0] =	ssyncadd.remote.s32 $0x1  }
0xc9: {  	_ =	sfence.sel $0xFFFF  }
0xca: {  	[dreg:$0x0] =	wrdreg $0xFFFFFFFF;
	(pc) =	sbr.abs _section_cstart, $3  }
0xcb: {  	[dreg:$0x1] =	wrdreg $0xFFFFFFFF  }
0xcc: {  	_ =	task.clear_ibuf [dreg:s11], $0x2FFFF;
	_ =	strace $0x9FFFFFFF  }
0xcd: {  	(tm) =	ssettm $0x7FFFFFFF  }
tec
execute0_lowered:
.L_overlay_start_1:
0x0: {  	(tag) =	ssettag $0x1  }
0x1: {  	s0 =	rddreg [dreg:$0x0]  }
0x2: {  	s1 =	rddreg [dreg:$0x1]  }
0x3: {  	s4 =	rddreg [dreg:$0x2]  }
0x4: {  	s5 =	rddreg [dreg:$0x3];
	s9 =	stileid.u32  }
0x5: {  	s6 =	rddreg [dreg:$0x4];
	s2 =	simm.s32 $0x0;
	s22 =	sshll.u32 s9, $0x6  }
0x6: {  	s3 =	srdreg.scid;
	[smem:$0x7FF] =	sst s2;
	s11 =	sand.u32 $0x380, s22  }
0x7: {  	s3 =	sand.u32 $0x1, s3;
	s7 =	sshll.u32 s9, $0x1;
	s0 =	sadd.s32 s0, s11  }
0x8: {  	_ =	strace $0x80000047;
	s1 =	sadd.s32 s1, s11;
	[dreg:$0x8] =	wrdreg s0  }
0x9: {  	s10 =	sor.u32 s3, s7;
	s28 =	sadd.s32 s4, s11;
	[dreg:$0x7] =	wrdreg s1  }
0xa: {  	v0 =	vlaneseq.u32;
	v1 =	vimm.s32 $0x7;
	s24 =	sshll.u32 s10, $0x5;
	s29 =	sadd.s32 s5, s11;
	[dreg:$0xa] =	wrdreg s28  }
0xb: {  	v2 =	vimm.s32 $0x0;
	v3 =	vimm.s32 $0x3;
	v4 =	vimm.s32 $0x5;
	s25 =	sand.u32 $0x60, s24;
	[dreg:$0xc] =	wrdreg s29  }
0xc: {  	v5 =	vimm.s32 $0x9;
	v6 =	vimm.s32 $0xB;
	v7 =	vimm.s32 $0xD;
	s8 =	ssub.s32 $0x2, s3;
	s26 =	sadd.s32 $0x3000, s1;
	[dreg:$0x6] =	wrdreg s25  }
0xd: {  	v8 =	vimm.s32 $0xF;
	v11 =	vimm.s32 $0xECA86420;
	v9 =	vimm.s32 $0x11;
	s23 =	sshrl.u32 s8, $0x1;
	s0 =	sadd.s32 $0x800, s28;
	[dreg:$0x9] =	wrdreg s26  }
0xe: {  	v10 =	vimm.s32 $0x13;
	vm0 =	vcmask $0xB08;
	vm1 =	vcmask $0x1310;
	s30 =	sshll.u32 s10, $0x2;
	s1 =	sadd.s32 $0x400, s29;
	[dreg:$0xb] =	wrdreg s0  }
0xf: {  	vm2 =	vcmask $0x1B18;
	vm4 =	vcmask $0x2320;
	v11 =	vunpack.c.l.s4.s8 v11;
	s8 =	ssub.s32 s8, s23;
	[dreg:$0xd] =	wrdreg s1;
	s0 =	sadd.s32 s6, s30  }
0x10: {  	vm5 =	vcmask $0x2B28;
	vm6 =	vcmask $0x3330;
	vm7 =	vcmask $0x3B38;
	s31 =	smax.u32 s8, $0x1;
	[dreg:$0xe] =	wrdreg s0  }
0x11: {  	vm8 =	vmmov $0xff;
	v12 =	vmul.u32 $0x2, v0;
	s3 =	simm.s32 $0x0;
	v11 =	vunpack.c.0.s8.s32 v11;
	[dreg:$0xf] =	wrdreg s31  }
.LBB2_1:
0x12: {  	[dreg:$0x10] =	wrdreg s3  }
0x13: {  	s0 =	rddreg [dreg:$0x8];
	s1 =	simm.s32 $0x400;
	s18 =	simm.s32 $0x2000  }
0x14: {  	[tilespmem:s2], [sflag:$0x1] =	stream.strided.gather [hbm4b:s0+s1], $0x10000, s18, s1, $0x38;
	[tilespmem:$0x14880] =	vst v63  }
0x15: {  	s19 =	rddreg [dreg:$0x7];
	s4 =	simm.s32 $0x10000  }
0x16: {  	[tilespmem:s4], [sflag:$0x1] =	stream.strided.gather [hbm4b:s19+s1], $0x3000, s18, s1, $0x38;
	[tilespmem:$0x14880] =	vst v63  }
0x17: {  	s20 =	rddreg [dreg:$0x9];
	s21 =	simm.s32 $0x13000  }
0x18: {  	[tilespmem:s21], [sflag:$0x1] =	stream.linear.gather [hbm4b:s20+s2], $0x200, $0x38;
	[tilespmem:$0x14880] =	vst v63  }
0x19: {  	s22 =	rddreg [dreg:$0xa];
	s23 =	simm.s32 $0x13400  }
0x1a: {  	[tilespmem:s23], [sflag:$0x1] =	stream.strided.gather [hbm4b:s22+s1], $0x800, s18, s1, $0x38;
	[tilespmem:$0x14880] =	vst v63  }
0x1b: {  	s24 =	rddreg [dreg:$0xb];
	s25 =	simm.s32 $0x13C00  }
0x1c: {  	[tilespmem:s25], [sflag:$0x1] =	stream.linear.gather [hbm4b:s24+s2], $0x200, $0x38;
	[tilespmem:$0x14880] =	vst v63  }
0x1d: {  	s26 =	rddreg [dreg:$0xc];
	s28 =	simm.s32 $0x14000  }
0x1e: {  	[tilespmem:s28], [sflag:$0x1] =	stream.linear.gather [hbm4b:s26+s2], $0x400, $0x38;
	[tilespmem:$0x14880] =	vst v63  }
0x1f: {  	s29 =	rddreg [dreg:$0xd];
	s30 =	simm.s32 $0x14400;
	s31 =	simm.s32 $0x1  }
0x20: {  	[tilespmem:s30], [sflag:$0x1] =	stream.linear.gather [hbm4b:s29+s2], $0x100, $0x38;
	[tilespmem:$0x14880] =	vst v63  }
0x21: {  	_ =	swait.ge [sflag:s31], $0x10000  }
0x22: {  	[sflag:s31] =	ssyncset.done $0x0  }
0x23: {  	[sflag:s31] =	ssyncadd.s32 $0xFFFF0000  }
0x24: {  	_ =	swait.ge [sflag:s31], $0x3200  }
0x25: {  	[sflag:s31] =	ssyncset.done $0x0  }
0x26: {  	[sflag:s31] =	ssyncadd.s32 $0xFFFFCE00  }
0x27: {  	_ =	swait.ge [sflag:s31], $0xA00  }
0x28: {  	[sflag:s31] =	ssyncset.done $0x0  }
0x29: {  	[sflag:s31] =	ssyncadd.s32 $0xFFFFF600  }
0x2a: {  	_ =	swait.ge [sflag:s31], $0x500  }
0x2b: {  	[sflag:s31] =	ssyncset.done $0x0  }
0x2c: {  	p1 =	por $0x1, $0x1;
	s25 =	simm.s32 $0x0;
	[sflag:s31] =	ssyncadd.s32 $0xFFFFFB00  }
.LBB2_2:
0x2d: {  	s0 =	rddreg [dreg:$0x6]  }
0x2e: {  	s31 =	sor.u32 s0, s25  }
0x2f: {  	s20 =	sadd.s32 $0x10000, s31  }
0x30: {  	v13 =	vld [tilespmem:s20+$0x0];
	_ =	sdelay $0x4  }
0x31: {  	v15 =	vor.u32 s31, v0;
	v13 =	vshll.u32 v13, $0x7  }
0x32: {  	v13 =	vor.u32 v15, v13;
	_ =	sdelay $0x4  }
0x33: {  	v23 =	vld.idx.msk [tilespmem:v13+s2+$0x0], $0xffff;
	_ =	sdelay $0x3  }
0x34: {  	v14 =	vimm.s32 $0x0  }
0x35: {  	v16 =	vld [tilespmem:s31+$0x13400];
	v13 =	vimm.f32 $1.000000000e+09;
	v20 =	vand.u32 $0x1, v23;
	v21 =	vand.u32 $0x2, v23  }
0x36: {  	v17 =	vld [tilespmem:s31+$0x13480];
	v22 =	vand.u32 $0x20, v23;
	v38 =	vand.u32 $0x10000, v23;
	v30 =	vand.u32 $0x80, v23  }
0x37: {  	v18 =	vld [tilespmem:s31+$0x13600];
	v32 =	vand.u32 $0x4000, v23;
	v26 =	vand.u32 $0x4, v23;
	v29 =	vand.u32 $0x8, v23  }
0x38: {  	v19 =	vld [tilespmem:s31+$0x13680];
	v31 =	vand.u32 $0x100, v23;
	v33 =	vand.u32 $0x800, v23;
	v34 =	vand.u32 $0x40, v23  }
0x39: {  	v36 =	vand.u32 $0x1000, v23;
	v59 =	vand.u32 $0x400, v23;
	v61 =	vand.u32 $0x200, v23  }
0x3a: {  	vm9 =	veq.s32 v20, $0x0;
	vm10 =	veq.s32 v21, $0x0;
	v21 =	vand.u32 $0x10, v23;
	v20 =	vld [tilespmem:s31+$0x13B80]  }
0x3b: {  	v27 =	vsel vm9, $0x4E6E6B28, v16;
	v28 =	vsel vm10, $0x4E6E6B28, v17;
	vm9 =	veq.s32 v21, $0x0  }
0x3c: {  	vm10 =	veq.s32 v22, $0x0;
	v22 =	vand.u32 $0x8000, v23;
	v21 =	vld [tilespmem:s31+$0x13500];
	v24 =	vsel vm9, $0x4E6E6B28, v18  }
0x3d: {  	vm9 =	vle.f32 v27, v28;
	v25 =	vsel vm10, $0x4E6E6B28, v19;
	vm10 =	veq.s32 v22, $0x0;
	v22 =	vld [tilespmem:s31+$0x13580]  }
0x3e: {  	v63 =	vand.u32 $0x80000, v23;
	vm14 =	veq.s32 v30, $0x0;
	v30 =	vld [tilespmem:s31+$0x13B00];
	vm9 =	vmneg vm9  }
0x3f: {  	v57 =	vsel vm9, v28, v27;
	v27 =	vld [tilespmem:s31+$0x13700];
	v39 =	vsel vm10, $0x4E6E6B28, v20;
	vm10 =	vle.f32 v24, v25  }
0x40: {  	vm11 =	veq.s32 v29, $0x0;
	v29 =	vand.u32 $0x2000, v23;
	v40 =	vsel vm10, v24, v25;
	v24 =	vld [tilespmem:s31+$0x13A00]  }
0x41: {  	vm12 =	veq.s32 v33, $0x0;
	v35 =	vsel vm10, $0x4, v4;
	vm10 =	veq.s32 v26, $0x0;
	v25 =	vld [tilespmem:s31+$0x13780]  }
0x42: {  	vm3 =	veq.s32 v61, $0x0;
	v26 =	vld [tilespmem:s31+$0x13980];
	v37 =	vsel vm10, $0x4E6E6B28, v21;
	v41 =	vsel vm11, $0x4E6E6B28, v22  }
0x43: {  	v42 =	vsel vm9, $0x1, v2;
	v28 =	vld [tilespmem:s31+$0x13900];
	vm9 =	veq.s32 v34, $0x0;
	vm13 =	vle.f32 v37, v41  }
0x44: {  	vm10 =	veq.s32 v29, $0x0;
	vm11 =	veq.s32 v36, $0x0;
	v29 =	vld [tilespmem:s31+$0x13800];
	v58 =	vsel vm13, v37, v41  }
0x45: {  	v62 =	vsel vm13, $0x2, v3;
	v43 =	vsel vm11, $0x4E6E6B28, v24;
	vm11 =	veq.s32 v31, $0x0;
	v31 =	vld [tilespmem:s31+$0x13A80]  }
0x46: {  	v48 =	vsel vm9, $0x4E6E6B28, v27;
	v60 =	vsel vm14, $0x4E6E6B28, v25;
	vm14 =	veq.s32 v32, $0x0;
	v32 =	vld [tilespmem:s31+$0x13880]  }
0x47: {  	vm15 =	vle.f32 v57, v58;
	v46 =	vsel vm12, $0x4E6E6B28, v26;
	vm12 =	veq.s32 v59, $0x0  }
0x48: {  	p0 =	por p1, p1;
	s18 =	simm.s32 $0x0;
	v41 =	vsel vm15, v57, v58;
	v42 =	vsel vm15, v42, v62;
	v47 =	vsel vm12, $0x4E6E6B28, v28  }
0x49: {  	s19 =	simm.s32 $0x14;
	s17 =	sor.u32 $0x80, s31;
	s16 =	sor.u32 $0x100, s31;
	v33 =	vld [tilespmem:s31+$0x13D00];
	v44 =	vsel vm11, $0x4E6E6B28, v29;
	v45 =	vsel vm14, $0x4E6E6B28, v30;
	vm9 =	vle.f32 v48, v60  }
0x4a: {  	s15 =	sor.u32 $0x180, s31;
	s1 =	sor.u32 $0x200, s31;
	s0 =	sor.u32 $0x280, s31;
	v34 =	vld [tilespmem:s31+$0x13C00];
	vm11 =	veq.s32 v63, $0x0;
	v50 =	vsel vm10, $0x4E6E6B28, v31;
	vm10 =	vle.f32 v47, v46  }
0x4b: {  	s30 =	sor.u32 $0x300, s31;
	s29 =	sor.u32 $0x380, s31;
	s3 =	sor.u32 $0x480, s31;
	v36 =	vld [tilespmem:s31+$0x13C80];
	v49 =	vsel vm9, v48, v60;
	v48 =	vsel vm3, $0x4E6E6B28, v32;
	v46 =	vsel vm10, v47, v46  }
0x4c: {  	s28 =	sor.u32 $0x400, s31;
	[dreg:$0x11] =	wrdreg s3;
	s20 =	sadd.s32 $0x80, s20;
	v37 =	vld [tilespmem:s31+$0x13D80];
	v47 =	vsel vm10, $0xA, v6;
	vm12 =	vle.f32 v43, v50;
	vm10 =	vle.f32 v40, v49  }
.LBB2_3:
0x4d: {  	v51 =	vld [tilespmem:s20+$0x0];
	p1 =	sne.s32 s19, $0x7BC;
	v52 =	vand.u32 $0x20000, v23;
	v23 =	vand.u32 $0x40000, v23;
	vm3 =	vle.f32 v45, v39;
	s5 =	smov.u32 s19;
	s19 =	sadd.s32 $0x14, s19  }
0x4e: {  	vm13 =	veq.s32 v38, $0x0;
	v38 =	vsel vm12, $0xC, v7;
	vm14 =	veq.s32 v52, $0x0  }
0x4f: {  	v43 =	vsel vm12, v43, v50;
	v52 =	vsel vm13, $0x4E6E6B28, v34;
	v50 =	vsel vm3, $0xE, v8  }
0x50: {  	vm12 =	veq.s32 v23, $0x0;
	v23 =	vsel vm10, v40, v49;
	v53 =	vsel vm14, $0x4E6E6B28, v36  }
0x51: {  	v40 =	vsel vm11, $0x4E6E6B28, v37;
	vm11 =	vle.f32 v44, v48;
	v39 =	vsel vm3, v45, v39  }
0x52: {  	v49 =	vsel vm9, $0x6, v1;
	v45 =	vshll.u32 v51, $0x7;
	v51 =	vsel vm11, $0x8, v5  }
0x53: {  	v54 =	vsel vm12, $0x4E6E6B28, v33;
	v44 =	vsel vm11, v44, v48;
	v45 =	vor.u32 v15, v45  }
0x54: {  	vm3 =	vle.f32 v52, v53;
	vm9 =	vle.f32 v44, v46;
	vm11 =	vle.f32 v43, v39  }
0x55: {  	v44 =	vsel vm9, v44, v46;
	v46 =	vsel vm9, v51, v47;
	v39 =	vsel vm11, v43, v39  }
0x56: {  	v35 =	vsel vm10, v35, v49;
	vm9 =	vle.f32 v41, v23;
	vm10 =	vle.f32 v44, v39  }
0x57: {  	v41 =	vsel vm9, v41, v23;
	v35 =	vsel vm9, v42, v35;
	v39 =	vsel vm10, v44, v39  }
0x58: {  	v42 =	vsel vm3, v52, v53;
	vm9 =	vle.f32 v54, v40;
	vm12 =	vle.f32 v41, v39;
	v23 =	vld.idx.msk [tilespmem:v45+s2+$0x0], $0xffff  }
0x59: {  	v40 =	vsel vm9, v54, v40;
	v39 =	vsel vm12, v41, v39  }
0x5a: {  	v38 =	vsel vm11, v38, v50;
	v41 =	vsel vm3, $0x10, v9;
	vm3 =	vle.f32 v42, v40  }
0x5b: {  	v43 =	vsel vm9, $0x12, v10;
	v38 =	vsel vm10, v46, v38;
	v40 =	vsel vm3, v42, v40  }
0x5c: {  	v35 =	vsel vm12, v35, v38;
	v41 =	vsel vm3, v41, v43;
	vm3 =	vle.f32 v39, v40  }
0x5d: {  	v38 =	vsel vm3, v39, v40;
	v35 =	vsel vm3, v35, v41  }
0x5e: {  	vm3 =	vlt.f32 v38, v13;
	v39 =	vand.u32 $0x1, v23;
	v40 =	vand.u32 $0x2, v23  }
0x5f: {  	v35 =	vadd.s32 s18, v35;
	s18 =	smov.u32 s5;
	vm9 =	veq.s32 v39, $0x0;
	vm10 =	veq.s32 v40, $0x0  }
0x60: {  	v14 =	vsel vm3, v35, v14;
	v39 =	vand.u32 $0x10, v23;
	v40 =	vand.u32 $0x20, v23  }
0x61: {  	v13 =	vsel vm3, v38, v13;
	v41 =	vsel vm9, $0x4E6E6B28, v16;
	v42 =	vsel vm10, $0x4E6E6B28, v17  }
0x62: {  	v38 =	vand.u32 $0x10000, v23;
	vm3 =	veq.s32 v39, $0x0;
	vm9 =	veq.s32 v40, $0x0  }
0x63: {  	v39 =	vand.u32 $0x8000, v23;
	v35 =	vsel vm3, $0x4E6E6B28, v18;
	vm3 =	vle.f32 v41, v42  }
0x64: {  	v43 =	vand.u32 $0x80, v23;
	v44 =	vand.u32 $0x4000, v23;
	v40 =	vsel vm9, $0x4E6E6B28, v19  }
0x65: {  	v45 =	vand.u32 $0x4, v23;
	v46 =	vand.u32 $0x8, v23;
	vm9 =	veq.s32 v39, $0x0  }
0x66: {  	vm10 =	veq.s32 v46, $0x0;
	v39 =	vsel vm9, $0x4E6E6B28, v20;
	vm9 =	vle.f32 v35, v40  }
0x67: {  	v46 =	vand.u32 $0x2000, v23;
	v40 =	vsel vm9, v35, v40;
	v35 =	vsel vm9, $0x4, v4  }
0x68: {  	v47 =	vand.u32 $0x800, v23;
	vm9 =	veq.s32 v45, $0x0;
	v45 =	vand.u32 $0x100, v23  }
0x69: {  	v48 =	vand.u32 $0x40, v23;
	v49 =	vand.u32 $0x1000, v23;
	vm3 =	vmneg vm3  }
0x6a: {  	v41 =	vsel vm3, v42, v41;
	v50 =	vsel vm9, $0x4E6E6B28, v21;
	vm9 =	veq.s32 v47, $0x0  }
0x6b: {  	v42 =	vsel vm10, $0x4E6E6B28, v22;
	vm10 =	veq.s32 v46, $0x0;
	v46 =	vsel vm3, $0x1, v2  }
0x6c: {  	vm11 =	veq.s32 v49, $0x0;
	vm3 =	veq.s32 v48, $0x0;
	vm12 =	vle.f32 v50, v42  }
0x6d: {  	vm13 =	veq.s32 v43, $0x0;
	v43 =	vsel vm11, $0x4E6E6B28, v24;
	v42 =	vsel vm12, v50, v42  }
0x6e: {  	vm11 =	veq.s32 v45, $0x0;
	v45 =	vand.u32 $0x400, v23;
	vm14 =	vle.f32 v41, v42  }
0x6f: {  	v47 =	vsel vm13, $0x4E6E6B28, v25;
	v48 =	vsel vm9, $0x4E6E6B28, v26;
	v41 =	vsel vm14, v41, v42  }
0x70: {  	vm13 =	veq.s32 v44, $0x0;
	vm9 =	veq.s32 v45, $0x0;
	v42 =	vand.u32 $0x200, v23  }
0x71: {  	v51 =	vsel vm9, $0x4E6E6B28, v28;
	vm15 =	veq.s32 v42, $0x0;
	v42 =	vsel vm12, $0x2, v3  }
.Ltmp0:
0x72: {  	v49 =	vsel vm3, $0x4E6E6B28, v27;
	v44 =	vsel vm11, $0x4E6E6B28, v29;
	v42 =	vsel vm14, v46, v42;
	(pc) =	sbr.rel @p1 .LBB2_3-.Ltmp0, $4  }
0x73: {  	v45 =	vsel vm13, $0x4E6E6B28, v30;
	vm9 =	vle.f32 v49, v47;
	v46 =	vand.u32 $0x80000, v23  }
0x74: {  	v50 =	vsel vm10, $0x4E6E6B28, v31;
	vm3 =	vle.f32 v51, v48;
	vm11 =	veq.s32 v46, $0x0  }
0x75: {  	v49 =	vsel vm9, v49, v47;
	v47 =	vsel vm3, $0xA, v6;
	v46 =	vsel vm3, v51, v48  }
0x76: {  	s20 =	sadd.s32 $0x80, s20;
	vm10 =	vle.f32 v40, v49;
	vm12 =	vle.f32 v43, v50;
	v48 =	vsel vm15, $0x4E6E6B28, v32  }
0x77: {  	vm3 =	veq.s32 v38, $0x0;
	v16 =	vand.u32 $0x20000, v23;
	v17 =	vsel vm12, $0xC, v7  }
0x78: {  	v18 =	vsel vm12, v43, v50;
	v19 =	vsel vm11, $0x4E6E6B28, v37;
	v20 =	vand.u32 $0x40000, v23  }
0x79: {  	v15 =	vsel vm3, $0x4E6E6B28, v34;
	vm3 =	veq.s32 v16, $0x0;
	v34 =	vsel vm9, $0x6, v1  }
0x7a: {  	vm9 =	vle.f32 v44, v48;
	v16 =	vsel vm3, $0x4E6E6B28, v36;
	vm3 =	vle.f32 v45, v39  }
0x7b: {  	v36 =	vsel vm10, v40, v49;
	v24 =	vsel vm9, $0x8, v5;
	v25 =	vsel vm9, v44, v48  }
0x7c: {  	v21 =	vsel vm3, $0xE, v8;
	v22 =	vsel vm3, v45, v39;
	vm3 =	veq.s32 v20, $0x0  }
0x7d: {  	vm9 =	vle.f32 v25, v46;
	v20 =	vsel vm10, v35, v34;
	vm10 =	vle.f32 v41, v36  }
0x7e: {  	v26 =	vsel vm3, $0x4E6E6B28, v33;
	vm3 =	vle.f32 v15, v16;
	v25 =	vsel vm9, v25, v46  }
0x7f: {  	v24 =	vsel vm9, v24, v47;
	vm9 =	vle.f32 v18, v22;
	v37 =	vsel vm10, v41, v36  }
0x80: {  	v20 =	vsel vm10, v42, v20;
	v18 =	vsel vm9, v18, v22;
	v15 =	vsel vm3, v15, v16  }
0x81: {  	v38 =	vsel vm3, $0x10, v9;
	vm3 =	vle.f32 v26, v19;
	vm10 =	vle.f32 v25, v18  }
0x82: {  	v17 =	vsel vm9, v17, v21;
	v19 =	vsel vm3, v26, v19;
	v18 =	vsel vm10, v25, v18  }
0x83: {  	v39 =	vsel vm3, $0x12, v10;
	vm3 =	vle.f32 v15, v19;
	vm9 =	vle.f32 v37, v18  }
0x84: {  	v17 =	vsel vm10, v24, v17;
	v15 =	vsel vm3, v15, v19;
	v18 =	vsel vm9, v37, v18  }
0x85: {  	v16 =	vsel vm3, v38, v39;
	v17 =	vsel vm9, v20, v17;
	vm3 =	vle.f32 v18, v15  }
0x86: {  	v15 =	vsel vm3, v18, v15;
	v16 =	vsel vm3, v17, v16  }
0x87: {  	vm3 =	vlt.f32 v15, v13;
	v13 =	vadd.s32 s18, v16  }
0x88: {  	v13 =	vsel vm3, v13, v14  }
0x89: {  	(v2sf) =	vpush v13, $0xD;
	_ =	sdelay $0x1  }
0x8a: {  	(v2sf) =	vpush v13, $0xC;
	_ =	sdelay $0x1  }
0x8b: {  	(v2sf) =	vpush v13, $0xE;
	_ =	sdelay $0x1  }
0x8c: {  	(v2sf) =	vpush v13, $0xF;
	_ =	sdelay $0x1  }
0x8d: {  	(v2sf) =	vpush v13, $0x9;
	_ =	sdelay $0x1  }
0x8e: {  	(v2sf) =	vpush v13, $0x8;
	_ =	sdelay $0x1  }
0x8f: {  	(v2sf) =	vpush v13, $0xA;
	_ =	sdelay $0x1  }
0x90: {  	(v2sf) =	vpush v13, $0xB  }
0x91: {  	s4 =	spop (v2sf)  }
0x92: {  	(v2sf) =	vpush v13, $0x0;
	s5 =	smulhi.u32 $0x66666667, s4;
	s4 =	sshra.s32 s4, $0x1F  }
0x93: {  	s6 =	spop (v2sf);
	s4 =	smul.u32 $0x66666667, s4  }
0x94: {  	(v2sf) =	vpush v13, $0x1;
	s8 =	smulhi.u32 $0x66666667, s6;
	s6 =	sshra.s32 s6, $0x1F  }
0x95: {  	s10 =	spop (v2sf);
	s6 =	smul.u32 $0x66666667, s6  }
0x96: {  	(v2sf) =	vpush v13, $0x2;
	s11 =	smulhi.u32 $0x66666667, s10;
	s10 =	sshra.s32 s10, $0x1F  }
0x97: {  	s12 =	spop (v2sf);
	s10 =	smul.u32 $0x66666667, s10  }
0x98: {  	(v2sf) =	vpush v13, $0x3;
	s18 =	smulhi.u32 $0x66666667, s12;
	s12 =	sshra.s32 s12, $0x1F  }
0x99: {  	s19 =	spop (v2sf);
	s12 =	smul.u32 $0x66666667, s12  }
0x9a: {  	(v2sf) =	vpush v13, $0x4;
	s22 =	smulhi.u32 $0x66666667, s19;
	s19 =	sshra.s32 s19, $0x1F  }
0x9b: {  	(v2sf) =	vpush v13, $0x5;
	s24 =	spop (v2sf);
	s7 =	smul.u32 $0x66666667, s19  }
0x9c: {  	(v2sf) =	vpush v13, $0x6;
	s9 =	smulhi.u32 $0x66666667, s24;
	s19 =	sshra.s32 s24, $0x1F  }
0x9d: {  	s20 =	spop (v2sf);
	(v2sf) =	vpush v13, $0x7;
	s13 =	smul.u32 $0x66666667, s19  }
0x9e: {  	s14 =	smulhi.u32 $0x66666667, s20;
	s26 =	sshra.s32 s20, $0x1F  }
0x9f: {  	s3 =	spop (v2sf);
	s23 =	smul.u32 $0x66666667, s26  }
0xa0: {  	s19 =	sadd.s32 s4, s5;
	s4 =	smulhi.u32 $0x66666667, s3;
	s21 =	sshra.s32 s3, $0x1F  }
0xa1: {  	s8 =	sadd.s32 s6, s8;
	s21 =	smul.u32 $0x66666667, s21;
	s24 =	spop (v2sf)  }
0xa2: {  	s20 =	sadd.s32 s10, s11;
	s11 =	smulhi.u32 $0x66666667, s24;
	s26 =	sshra.s32 s24, $0x1F  }
0xa3: {  	s18 =	sadd.s32 s12, s18;
	s3 =	spop (v2sf);
	s12 =	smul.u32 $0x66666667, s26  }
0xa4: {  	s6 =	sadd.s32 s7, s22;
	s7 =	smulhi.u32 $0x66666667, s3;
	s22 =	sshra.s32 s3, $0x1F  }
0xa5: {  	s10 =	sadd.s32 s13, s9;
	s24 =	spop (v2sf);
	s13 =	smul.u32 $0x66666667, s22  }
0xa6: {  	s5 =	sadd.s32 s23, s14;
	s14 =	smulhi.u32 $0x66666667, s24;
	s9 =	sshra.s32 s24, $0x1F  }
0xa7: {  	s26 =	spop (v2sf);
	s9 =	smul.u32 $0x66666667, s9  }
0xa8: {  	s22 =	sadd.s32 s21, s4;
	s21 =	smulhi.u32 $0x66666667, s26;
	s4 =	sshra.s32 s26, $0x1F  }
0xa9: {  	s3 =	spop (v2sf);
	s4 =	smul.u32 $0x66666667, s4  }
0xaa: {  	s24 =	sadd.s32 s12, s11;
	s11 =	spop (v2sf);
	s12 =	smulhi.u32 $0x66666667, s3  }
0xab: {  	s23 =	sshra.s32 s3, $0x1F;
	s7 =	sadd.s32 s13, s7;
	s3 =	spop (v2sf)  }
0xac: {  	v15 =	vld [tilespmem:s31+$0x14000];
	s31 =	sshrl.u32 s24, $0x1F;
	s13 =	smul.u32 $0x66666667, s23;
	s26 =	spop (v2sf)  }
0xad: {  	s9 =	sadd.s32 s9, s14;
	s14 =	smulhi.u32 $0x66666667, s26;
	s23 =	sshra.s32 s26, $0x1F  }
0xae: {  	s4 =	sadd.s32 s4, s21;
	s12 =	sadd.s32 s13, s12;
	s13 =	smul.u32 $0x66666667, s23  }
0xaf: {  	s21 =	smulhi.u32 $0x66666667, s11;
	s26 =	sshrl.u32 s8, $0x1F;
	s23 =	sshra.s32 s11, $0x1F  }
0xb0: {  	vm10 =	vcmask $0x1F1C;
	v14 =	vmov s26;
	s11 =	sadd.s32 s13, s14;
	s13 =	smul.u32 $0x66666667, s23;
	s23 =	sshrl.u32 s19, $0x1F  }
0xb1: {  	vm9 =	vcmask $0x1714;
	v41 =	vmov s31;
	s31 =	sshrl.u32 s10, $0x1F;
	s26 =	sshrl.u32 s20, $0x1F;
	v14 =	vsel vm0, s23, v14  }
0xb2: {  	vm3 =	vcmask $0x300;
	s10 =	sshra.s32 s10, $0x3;
	v43 =	vmov s31;
	v14 =	vsel vm1, s26, v14;
	s26 =	sshra.s32 s11, $0x1F  }
0xb3: {  	v40 =	vld [tilespmem:s17+$0x14000];
	v17 =	vnsel vm3, $0x0, v41;
	s31 =	sshrl.u32 s7, $0x1F;
	v50 =	vmov s10;
	s8 =	sshra.s32 s8, $0x3;
	v42 =	vmov s26;
	s26 =	sshra.s32 s24, $0x3  }
0xb4: {  	v17 =	vsel vm0, s31, v17;
	v48 =	vmov s8;
	s23 =	sshrl.u32 s18, $0x1F;
	v18 =	vsel vm3, s26, v42;
	s26 =	sshrl.u32 s6, $0x1F  }
0xb5: {  	v14 =	vsel vm2, s23, v14;
	s23 =	sshra.s32 s24, $0x1F;
	s24 =	sshrl.u32 s5, $0x1F;
	vm3 =	vcmask $0x704;
	v19 =	vsel vm0, s26, v43  }
0xb6: {  	v44 =	vld [tilespmem:s16+$0x14000];
	s16 =	sshrl.u32 s22, $0x1F;
	v18 =	vsel vm3, s23, v18;
	s23 =	sshrl.u32 s9, $0x1F;
	s26 =	sshra.s32 s7, $0x3;
	vm3 =	vcmask $0xF0C;
	v19 =	vsel vm1, s24, v19  }
0xb7: {  	s31 =	sshrl.u32 s4, $0x1F;
	s7 =	sshra.s32 s7, $0x1F;
	v17 =	vsel vm1, s23, v17;
	v18 =	vsel vm0, s26, v18;
	v19 =	vsel vm2, s16, v19  }
0xb8: {  	s13 =	sadd.s32 s13, s21;
	s21 =	sshrl.u32 s12, $0x1F;
	s23 =	sshra.s32 s9, $0x3;
	v17 =	vsel vm2, s31, v17;
	v18 =	vsel vm3, s7, v18;
	vm3 =	vlt.f32 v40, v15  }
0xb9: {  	s14 =	smulhi.u32 $0x66666667, s3;
	s3 =	sshra.s32 s3, $0x1F;
	s9 =	sshra.s32 s9, $0x1F;
	v17 =	vsel vm4, s21, v17;
	v18 =	vsel vm1, s23, v18;
	v15 =	vsel vm3, v40, v15  }
0xba: {  	s3 =	smul.u32 $0x66666667, s3;
	s24 =	sshrl.u32 s13, $0x1F;
	s31 =	sshra.s32 s4, $0x3;
	v49 =	vsel vm3, $0x1, v2;
	v14 =	vcombine.low v19, v14;
	v47 =	vsel vm9, s9, v18  }
0xbb: {  	v45 =	vld [tilespmem:s15+$0x14000];
	s15 =	sshra.s32 s19, $0x3;
	s6 =	sshra.s32 s6, $0x3;
	s4 =	sshra.s32 s4, $0x1F;
	vm3 =	vcmask $0x2724;
	v46 =	vsel vm5, s24, v17;
	v17 =	vsel vm2, s31, v47  }
0xbc: {  	s3 =	sadd.s32 s3, s14;
	s5 =	sshra.s32 s5, $0x3;
	v19 =	vsel vm0, s6, v50;
	vm9 =	vlt.f32 v44, v15;
	s9 =	sshra.s32 s12, $0x3;
	v17 =	vsel vm10, s4, v17  }
0xbd: {  	s14 =	sshra.s32 s12, $0x1F;
	s26 =	sshrl.u32 s3, $0x1F;
	v18 =	vsel vm0, s15, v48;
	v19 =	vsel vm1, s5, v19;
	v17 =	vsel vm4, s9, v17  }
0xbe: {  	s17 =	sshra.s32 s20, $0x3;
	s16 =	sshra.s32 s13, $0x3;
	v16 =	vsel vm6, s26, v46;
	v15 =	vsel vm9, v44, v15;
	v17 =	vsel vm3, s14, v17  }
0xbf: {  	s19 =	sshra.s32 s13, $0x1F;
	s21 =	sshra.s32 s22, $0x3;
	v18 =	vsel vm1, s17, v18;
	vm3 =	vcmask $0x2F2C;
	v17 =	vsel vm5, s16, v17  }
0xc0: {  	v51 =	vld [tilespmem:s1+$0x14000];
	s20 =	sshra.s32 s18, $0x3;
	s22 =	sshra.s32 s3, $0x3;
	v19 =	vsel vm2, s21, v19;
	v14 =	vperm.xlane v14, v11;
	v17 =	vsel vm3, s19, v17  }
0xc1: {  	s23 =	sshrl.u32 s11, $0x1F;
	s24 =	sshra.s32 s3, $0x1F;
	v18 =	vsel vm2, s20, v18;
	vm3 =	vcmask $0x3734;
	v17 =	vsel vm6, s22, v17  }
0xc2: {  	v52 =	vld [tilespmem:s0+$0x14000];
	s26 =	sshra.s32 s11, $0x3;
	v16 =	vsel vm7, s23, v16;
	v18 =	vcombine.low v19, v18;
	v17 =	vsel vm3, s24, v17  }
0xc3: {  	vm10 =	vlt.f32 v45, v15;
	v16 =	vperm.xlane v16, v12;
	v17 =	vsel vm7, s26, v17  }
0xc4: {  	v53 =	vld [tilespmem:s30+$0x14000];
	v15 =	vsel vm10, v45, v15;
	v18 =	vperm.xlane v18, v11;
	v17 =	vperm.xlane v17, v12  }
0xc5: {  	v20 =	vsel vm9, $0x2, v49;
	vm3 =	vlt.f32 v51, v15  }
0xc6: {  	v54 =	vld [tilespmem:s29+$0x14000];
	v14 =	vsel vm8, v16, v14;
	v15 =	vsel vm3, v51, v15;
	v55 =	vsel vm8, v17, v18  }
0xc7: {  	v56 =	vsel vm10, $0x3, v20;
	vm9 =	vlt.f32 v52, v15;
	v14 =	vadd.s32 v14, v55  }
0xc8: {  	v57 =	vsel vm3, $0x4, v56;
	v15 =	vsel vm9, v52, v15;
	v58 =	vmul.u32 $0xFFFFFFEC, v14  }
0xc9: {  	v59 =	vld [tilespmem:s28+$0x14000];
	v16 =	vsel vm9, $0x5, v57;
	vm3 =	vlt.f32 v53, v15  }
0xca: {  	s31 =	rddreg [dreg:$0x11];
	vm9 =	vlt.s32 v13, $0x1;
	v15 =	vsel vm3, v53, v15;
	v17 =	vadd.s32 v13, v58  }
0xcb: {  	v60 =	vld [tilespmem:s31+$0x14000];
	v16 =	vsel vm3, $0x6, v16;
	vm3 =	vlt.f32 v54, v15;
	vm10 =	vne.s32 v17, $0x0  }
0xcc: {  	v13 =	vsel vm3, v54, v15;
	v15 =	vsel vm3, $0x7, v16;
	vm3 =	vmand vm9, vm10  }
0xcd: {  	v62 =	vadd.s32 $0x14, v17;
	v61 =	vsel vm3, $0xFFFFFFFF, v2;
	vm3 =	vlt.s32 v17, $0x0  }
0xce: {  	v17 =	vsel vm3, v62, v17;
	vm3 =	vlt.f32 v59, v13;
	v14 =	vadd.s32 v61, v14  }
0xcf: {  	v13 =	vsel vm3, v59, v13;
	v14 =	vmul.u32 $0xC8, v14;
	v63 =	vmul.u32 $0xA, v17  }
.Ltmp1:
0xd0: {  	v15 =	vsel vm3, $0x8, v15;
	vm3 =	vlt.f32 v60, v13;
	(pc) =	sbr.rel @p0 .LBB2_2-.Ltmp1, $4  }
0xd1: {  	v13 =	vsel vm3, $0x9, v15;
	v14 =	vadd.s32 v63, v14  }
0xd2: {  	v13 =	vadd.s32 v14, v13  }
0xd3: {  	v13 =	vadd.s32 $0x1, v13  }
0xd4: {  	p1 =	por $0x0, $0x0;
	[tilespmem:s25+$0x14800] =	vst v13;
	s25 =	simm.s32 $0x10  }
0xd5: {  	s0 =	rddreg [dreg:$0xe];
	s1 =	simm.s32 $0x14800;
	s30 =	simm.s32 $0x2  }
0xd6: {  	[hbm4b:s0+s2] =	stream.linear.scatter [tilespmem:s1], [sflag:$0x2], $0x20, $0x38;
	[tilespmem:$0x14880] =	vst v63  }
0xd7: {  	_ =	swait.ge [sflag:s30], $0x20  }
0xd8: {  	s3 =	rddreg [dreg:$0x10]  }
0xd9: {  	s31 =	rddreg [dreg:$0xf];
	s3 =	sadd.s32 $0x1, s3  }
0xda: {  	p0 =	sne.s32 s3, s31  }
.Ltmp2:
0xdb: {  	_ = 	snop;
	(pc) =	sbr.rel @p0 .LBB2_1-.Ltmp2, $3  }
0xdc: {  	_ =	sdelay $0x1  }
0xdd: {  	[sflag:s30] =	ssyncset.done $0x0  }
0xde: {  	[sflag:s30] =	ssyncadd.s32 $0xFFFFFFE0  }
0xdf: {  	_ =	sfence.sel $0x180000  }
0xe0: {  	[bflag:$0x0] =	sbarrier.arrive $0xFFFF  }
0xe1: {  	_ =	strace $0x90000047  }
0xe2: {  	s0 =	stileid.u32;
	[bflag:$0x2] =	sbarrier.arrive $0xFFFF  }
0xe3: {  	p0 =	sne.s32 s0, $0x0;
	s0 =	rddreg [dreg:$0x5]  }
0xe4: {  	s0 =	sadd.s32 @!p0 $0x100000, s0  }
0xe5: {  	[sflag:s0] =	ssyncadd.tile.s32 @!p0 $0x1;
	_ =	shalt  }
.Lfunc_end2:
_tile_overlayer_lowered:
.L_overlay_start_2:
0xe6: {  	(tag) =	ssettag $0x2  }
0xe7: {  	s0 =	rddreg [dreg:$0x0];
	s2 =	stileid.u32  }
0xe8: {  	s1 =	rddreg [dreg:$0x1];
	p0 =	sne.s32 s2, $0x0  }
0xe9: {  	s3 =	rddreg [dreg:$0x2];
	[bflag:$0x3] =	sbarrier.arrive $0xFFFF;
	s2 =	simm.s32 @!p0 $0x1C02  }
0xea: {  	[timem:s3], [sflag:s2] =	dma.local @!p0 [hbm:s0], s1  }
0xeb: {  	s0 =	simm.s32 @!p0 $0x2  }
0xec: {  	_ =	swait.ge @!p0 [sflag:s0], s1  }
0xed: {  	s1 =	ssub.s32 @!p0 $0x0, s1;
	[sflag:s0] =	ssyncset.done @!p0 $0x0  }
0xee: {  	[sflag:s0] =	ssyncadd.s32 @!p0 s1  }
0xef: {  	[bflag:$0x3] =	sbarrier.arrive $0xFFFF  }
0xf0: {  	_ =	shalt  }

</sc_bundles>
